<compile_context>
chip_gen: v7x
topology: tpu7x:2x2x1
jax: 0.10.2.dev20260603
libtpu: 0.0.44.dev20260713+nightly
codegen_flags: <defaults>
</compile_context>

<pallas_src>
import functools

import jax
import jax.numpy as jnp
from jax import lax
from jax.experimental import pallas as pl
from jax.experimental.pallas import tpu as pltpu
from jax.experimental.pallas import tpu_sc as plsc

B_SEQ = 4096
T_IN = 200
T_OUT = T_IN + 1
D = 128
IDS_LEN = B_SEQ * T_IN
TOTAL_ROWS = B_SEQ * T_OUT
N_WORKERS = 32
PER_WORKER = TOTAL_ROWS // N_WORKERS
CHUNK = 128
N_CHUNKS = PER_WORKER // CHUNK
DEPTH = 4
QUADS = 49
BOS_OFF = DEPTH * CHUNK

_MESH = plsc.VectorSubcoreMesh(core_axis_name="c", subcore_axis_name="s")


@functools.partial(
    pl.kernel,
    mesh=_MESH,
    out_type=jax.ShapeDtypeStruct((TOTAL_ROWS, D), jnp.float32),
    scratch_types=[
        pltpu.VMEM((CHUNK,), jnp.int32),
        pltpu.VMEM((CHUNK,), jnp.int32),
        pltpu.VMEM((CHUNK,), jnp.int32),
        pltpu.VMEM((CHUNK,), jnp.int32),
        pltpu.VMEM(((DEPTH + 1) * CHUNK, D), jnp.float32),
        pltpu.SemaphoreType.DMA,
        pltpu.SemaphoreType.DMA,
        pltpu.SemaphoreType.DMA,
        pltpu.SemaphoreType.DMA,
        pltpu.SemaphoreType.DMA,
        pltpu.SemaphoreType.DMA,
        pltpu.SemaphoreType.DMA,
        pltpu.SemaphoreType.DMA,
    ],
)
def _sc_embed(ids_hbm, table_hbm, out_hbm,
              ix0, ix1, ix2, ix3, rb,
              sg0, sg1, sg2, sg3, ss0, ss1, ss2, ss3):
    ixs = (ix0, ix1, ix2, ix3)
    sgs, sss = (sg0, sg1, sg2, sg3), (ss0, ss1, ss2, ss3)

    wid = lax.axis_index("s") * 2 + lax.axis_index("c")
    base0 = wid * PER_WORKER
    zero = jnp.full((16,), 0, jnp.int32)

    for g in range(CHUNK // 16):
        ix0[pl.ds(16 * g, 16)] = zero
    pltpu.async_copy(table_hbm.at[ix0], rb.at[pl.ds(BOS_OFF, CHUNK)], sg0)
    pltpu.make_async_copy(table_hbm.at[ix0],
                          rb.at[pl.ds(BOS_OFF, CHUNK)], sg0).wait()

    def build_idx(base, b):
        al = jnp.maximum(base - B_SEQ, jnp.int32(0))
        al = pl.multiple_of(al, 8)
        pltpu.sync_copy(ids_hbm.at[pl.ds(al, CHUNK)], ixs[b])

    def issue_g(b):
        pltpu.async_copy(table_hbm.at[ixs[b]], rb.at[pl.ds(b * CHUNK, CHUNK)],
                         sgs[b])

    def wait_g(b):
        pltpu.make_async_copy(table_hbm.at[ixs[b]],
                              rb.at[pl.ds(b * CHUNK, CHUNK)], sgs[b]).wait()

    def body(i, b, more):
        base = base0 + i * CHUNK
        wait_g(b)
        off = jnp.where(base < B_SEQ, jnp.int32(BOS_OFF), jnp.int32(b * CHUNK))
        off = pl.multiple_of(off, 8)
        store = pltpu.async_copy(
            rb.at[pl.ds(off, CHUNK)],
            out_hbm.at[pl.ds(base, CHUNK)], sss[b])
        if more:
            build_idx(base0 + (i + DEPTH) * CHUNK, b)
        store.wait()
        if more:
            issue_g(b)

    for b in range(DEPTH):
        build_idx(base0 + b * CHUNK, b)
        issue_g(b)

    def quad(p, carry):
        for b in range(DEPTH):
            body(DEPTH * p + b, b, True)
        return carry

    lax.fori_loop(0, QUADS, quad, jnp.int32(0))
    body(jnp.int32(N_CHUNKS - 5), 0, True)
    body(jnp.int32(N_CHUNKS - 4), 1, False)
    body(jnp.int32(N_CHUNKS - 3), 2, False)
    body(jnp.int32(N_CHUNKS - 2), 3, False)
    body(jnp.int32(N_CHUNKS - 1), 0, False)


def kernel(input_ids, table):
    ids_t = jnp.transpose(input_ids.astype(jnp.int32)).reshape(IDS_LEN)
    out = _sc_embed(ids_t, table)
    return out.reshape(T_OUT, B_SEQ, D).transpose(1, 0, 2)

# --- scband reference (transcript-rebuilt; emitter-appended) ---
"""Pipeline reference for scband-text-input-embedding-34179349742327 (READ-ONLY COPY).

The authoritative reference and input builder live on the scoring server;
editing this copy changes nothing except your own understanding.
"""

import jax, jax.numpy as jnp
import numpy as np

N_VOCAB = 1000000
D_MODEL = 128
BOS = 0
INIT_SCALE = 1.0


def setup_inputs(seed: int = 0) -> dict:
    key = jax.random.key(seed)
    k_idx, k_tab = jax.random.split(key)
    input_ids = jax.random.randint(k_idx, (4096, 200), 0, N_VOCAB, dtype=jnp.int64 if jax.config.jax_enable_x64 else jnp.int32)
    table = jax.random.normal(k_tab, (N_VOCAB, D_MODEL), dtype=jnp.float32) * INIT_SCALE
    return {"input_ids": input_ids, "table": table}


def reference(input_ids, table):
    # pad(input_ids, (1, 0), 'constant', bos): prepend BOS along last dim
    padded = jnp.pad(input_ids, ((0, 0), (1, 0)), mode="constant", constant_values=BOS)
    # embedding lookup
    x = jnp.take(table, padded, axis=0)
    return x

if __name__ == "__main__":
    import jax
    _d = setup_inputs()
    print(jax.jit(kernel)(*tuple(_d.values())))

</pallas_src>

<mosaic_0001>
#map = affine_map<(d0, d1) -> (0)>
#map1 = affine_map<(d0, d1) -> (0, 0)>
module attributes {stable_mosaic.version = 14 : i64} {
  func.func @_sc_embed(%arg0: i32, %arg1: i32, %arg2: memref<819200xi32, #tpu.memory_space<hbm>>, %arg3: memref<1000000x128xf32, #tpu.memory_space<hbm>>, %arg4: memref<823296x128xf32, #tpu.memory_space<hbm>>, %arg5: memref<128xi32, #tpu.memory_space<vmem>>, %arg6: memref<128xi32, #tpu.memory_space<vmem>>, %arg7: memref<128xi32, #tpu.memory_space<vmem>>, %arg8: memref<128xi32, #tpu.memory_space<vmem>>, %arg9: memref<640x128xf32, #tpu.memory_space<vmem>>, %arg10: memref<!tpu.dma_semaphore, #tpu.memory_space<semaphore_mem>>, %arg11: memref<!tpu.dma_semaphore, #tpu.memory_space<semaphore_mem>>, %arg12: memref<!tpu.dma_semaphore, #tpu.memory_space<semaphore_mem>>, %arg13: memref<!tpu.dma_semaphore, #tpu.memory_space<semaphore_mem>>, %arg14: memref<!tpu.dma_semaphore, #tpu.memory_space<semaphore_mem>>, %arg15: memref<!tpu.dma_semaphore, #tpu.memory_space<semaphore_mem>>, %arg16: memref<!tpu.dma_semaphore, #tpu.memory_space<semaphore_mem>>, %arg17: memref<!tpu.dma_semaphore, #tpu.memory_space<semaphore_mem>>) attributes {dimension_semantics = [#tpu.dimension_semantics<core_parallel>, #tpu.dimension_semantics<subcore_parallel>], iteration_bounds = array<i64: 2, 16>, scalar_prefetch = 0 : i64, scratch_operands = 13 : i64, tpu.core_type = #tpu.core_type<sc_vector_subcore>, window_params = [{transform_indices = #map}, {transform_indices = #map1}, {transform_indices = #map1}]} {
    %mul3A = arith.constant 2 : i32
    %mul3A_0 = arith.muli %arg1, %mul3A : i32
    %add3A = arith.addi %mul3A_0, %arg0 : i32
    %mul3A_1 = arith.constant 25728 : i32
    %mul3A_2 = arith.muli %add3A, %mul3A_1 : i32
    %broadcast_in_dim3A = arith.constant 0 : i32
    %broadcast_in_dim3A_3 = vector.broadcast %broadcast_in_dim3A : i32 to vector<16xi32>
    %swap3A = arith.constant 0 : index
    %swap3A_4 = tpu.vector_load %arg5[%swap3A] {strides = array<i32>} : memref<128xi32, #tpu.memory_space<vmem>>, vector<16xi32>,
    %swap3A_5 = vector.shape_cast %swap3A_4 : vector<16xi32> to vector<16xi32>
    %swap3A_6 = vector.shape_cast %broadcast_in_dim3A_3 : vector<16xi32> to vector<16xi32>
    tpu.vector_store %arg5[%swap3A], %swap3A_6 {strides = array<i32>} : memref<128xi32, #tpu.memory_space<vmem>>, vector<16xi32>,
    %swap3A_7 = arith.constant 16 : index
    %swap3A_8 = tpu.vector_load %arg5[%swap3A_7] {strides = array<i32>} : memref<128xi32, #tpu.memory_space<vmem>>, vector<16xi32>,
    %swap3A_9 = vector.shape_cast %swap3A_8 : vector<16xi32> to vector<16xi32>
    %swap3A_10 = vector.shape_cast %broadcast_in_dim3A_3 : vector<16xi32> to vector<16xi32>
    tpu.vector_store %arg5[%swap3A_7], %swap3A_10 {strides = array<i32>} : memref<128xi32, #tpu.memory_space<vmem>>, vector<16xi32>,
    %swap3A_11 = arith.constant 32 : index
    %swap3A_12 = tpu.vector_load %arg5[%swap3A_11] {strides = array<i32>} : memref<128xi32, #tpu.memory_space<vmem>>, vector<16xi32>,
    %swap3A_13 = vector.shape_cast %swap3A_12 : vector<16xi32> to vector<16xi32>
    %swap3A_14 = vector.shape_cast %broadcast_in_dim3A_3 : vector<16xi32> to vector<16xi32>
    tpu.vector_store %arg5[%swap3A_11], %swap3A_14 {strides = array<i32>} : memref<128xi32, #tpu.memory_space<vmem>>, vector<16xi32>,
    %swap3A_15 = arith.constant 48 : index
    %swap3A_16 = tpu.vector_load %arg5[%swap3A_15] {strides = array<i32>} : memref<128xi32, #tpu.memory_space<vmem>>, vector<16xi32>,
    %swap3A_17 = vector.shape_cast %swap3A_16 : vector<16xi32> to vector<16xi32>
    %swap3A_18 = vector.shape_cast %broadcast_in_dim3A_3 : vector<16xi32> to vector<16xi32>
    tpu.vector_store %arg5[%swap3A_15], %swap3A_18 {strides = array<i32>} : memref<128xi32, #tpu.memory_space<vmem>>, vector<16xi32>,
    %swap3A_19 = arith.constant 64 : index
    %swap3A_20 = tpu.vector_load %arg5[%swap3A_19] {strides = array<i32>} : memref<128xi32, #tpu.memory_space<vmem>>, vector<16xi32>,
    %swap3A_21 = vector.shape_cast %swap3A_20 : vector<16xi32> to vector<16xi32>
    %swap3A_22 = vector.shape_cast %broadcast_in_dim3A_3 : vector<16xi32> to vector<16xi32>
    tpu.vector_store %arg5[%swap3A_19], %swap3A_22 {strides = array<i32>} : memref<128xi32, #tpu.memory_space<vmem>>, vector<16xi32>,
    %swap3A_23 = arith.constant 80 : index
    %swap3A_24 = tpu.vector_load %arg5[%swap3A_23] {strides = array<i32>} : memref<128xi32, #tpu.memory_space<vmem>>, vector<16xi32>,
    %swap3A_25 = vector.shape_cast %swap3A_24 : vector<16xi32> to vector<16xi32>
    %swap3A_26 = vector.shape_cast %broadcast_in_dim3A_3 : vector<16xi32> to vector<16xi32>
    tpu.vector_store %arg5[%swap3A_23], %swap3A_26 {strides = array<i32>} : memref<128xi32, #tpu.memory_space<vmem>>, vector<16xi32>,
    %swap3A_27 = arith.constant 96 : index
    %swap3A_28 = tpu.vector_load %arg5[%swap3A_27] {strides = array<i32>} : memref<128xi32, #tpu.memory_space<vmem>>, vector<16xi32>,
    %swap3A_29 = vector.shape_cast %swap3A_28 : vector<16xi32> to vector<16xi32>
    %swap3A_30 = vector.shape_cast %broadcast_in_dim3A_3 : vector<16xi32> to vector<16xi32>
    tpu.vector_store %arg5[%swap3A_27], %swap3A_30 {strides = array<i32>} : memref<128xi32, #tpu.memory_space<vmem>>, vector<16xi32>,
    %swap3A_31 = arith.constant 112 : index
    %swap3A_32 = tpu.vector_load %arg5[%swap3A_31] {strides = array<i32>} : memref<128xi32, #tpu.memory_space<vmem>>, vector<16xi32>,
    %swap3A_33 = vector.shape_cast %swap3A_32 : vector<16xi32> to vector<16xi32>
    %swap3A_34 = vector.shape_cast %broadcast_in_dim3A_3 : vector<16xi32> to vector<16xi32>
    tpu.vector_store %arg5[%swap3A_31], %swap3A_34 {strides = array<i32>} : memref<128xi32, #tpu.memory_space<vmem>>, vector<16xi32>,
    %dma_start3A = arith.constant 512 : i32
    %dma_start3A_35 = arith.constant 0 : i32
    %dma_start3A_36 = tpu.memref_slice %arg9[%dma_start3A, %dma_start3A_35] : memref<640x128xf32, #tpu.memory_space<vmem>> -> memref<128x128xf32, #tpu.memory_space<vmem>>
    %dma_start3A_37 = arith.constant 0 : i32
    %dma_start3A_38 = arith.constant 0 : i32
    %dma_start3A_39 = tpu.memref_slice %arg3[%dma_start3A_37, %dma_start3A_38] : memref<1000000x128xf32, #tpu.memory_space<hbm>> -> memref<1000000x128xf32, #tpu.memory_space<hbm>>
    tpu.enqueue_indirect_dma source(%dma_start3A_39 : memref<1000000x128xf32, #tpu.memory_space<hbm>>) target(%dma_start3A_36 : memref<128x128xf32, #tpu.memory_space<vmem>>) offsets(%arg5 : memref<128xi32, #tpu.memory_space<vmem>>) semaphore(%arg10 : memref<!tpu.dma_semaphore, #tpu.memory_space<semaphore_mem>>)
    %dma_wait3A = arith.constant 512 : i32
    %dma_wait3A_40 = arith.constant 0 : i32
    %dma_wait3A_41 = tpu.memref_slice %arg9[%dma_wait3A, %dma_wait3A_40] : memref<640x128xf32, #tpu.memory_space<vmem>> -> memref<128x128xf32, #tpu.memory_space<vmem>>
    %dma_wait3A_42 = arith.constant 0 : i32
    %dma_wait3A_43 = arith.constant 0 : i32
    %dma_wait3A_44 = tpu.memref_slice %arg3[%dma_wait3A_42, %dma_wait3A_43] : memref<1000000x128xf32, #tpu.memory_space<hbm>> -> memref<1000000x128xf32, #tpu.memory_space<hbm>>
    tpu.wait_indirect_dma semaphore(%arg10 : memref<!tpu.dma_semaphore, #tpu.memory_space<semaphore_mem>>) src(%dma_wait3A_44 : memref<1000000x128xf32, #tpu.memory_space<hbm>>) dst(%dma_wait3A_41 : memref<128x128xf32, #tpu.memory_space<vmem>>)
    %add3A_45 = arith.constant 0 : i32
    %add3A_46 = arith.addi %mul3A_2, %add3A_45 : i32
    %sub3A = arith.constant 4096 : i32
    %sub3A_47 = arith.subi %add3A_46, %sub3A : i32
    %max3A = arith.constant 0 : i32
    %max3A_48 = arith.maxsi %sub3A_47, %max3A : i32
    %multiple_of3A = tpu.assume_multiple %max3A_48, 8 : i32
    "tpu.region"() ({
      %run_scoped3A = tpu.sem_alloc : memref<!tpu.dma_semaphore, #tpu.memory_space<semaphore_mem>>
      %dma_start3A_273 = tpu.memref_slice %arg2[%multiple_of3A] : memref<819200xi32, #tpu.memory_space<hbm>> -> memref<128xi32, #tpu.memory_space<hbm>>
      %dma_start3A_274 = tpu.memref_slice %arg2[%multiple_of3A] : memref<819200xi32, #tpu.memory_space<hbm>> -> memref<128xi32, #tpu.memory_space<hbm>>
      tpu.enqueue_dma source(%dma_start3A_274 : memref<128xi32, #tpu.memory_space<hbm>>) target(%arg5 : memref<128xi32, #tpu.memory_space<vmem>>) target_semaphore(%run_scoped3A : memref<!tpu.dma_semaphore, #tpu.memory_space<semaphore_mem>>)
      %dma_wait3A_275 = tpu.memref_slice %arg2[%multiple_of3A] : memref<819200xi32, #tpu.memory_space<hbm>> -> memref<128xi32, #tpu.memory_space<hbm>>
      %dma_wait3A_276 = tpu.memref_slice %arg2[%multiple_of3A] : memref<819200xi32, #tpu.memory_space<hbm>> -> memref<128xi32, #tpu.memory_space<hbm>>
      tpu.wait_dma2 semaphore(%run_scoped3A : memref<!tpu.dma_semaphore, #tpu.memory_space<semaphore_mem>>) src(%dma_wait3A_276 : memref<128xi32, #tpu.memory_space<hbm>>) dst(%arg5 : memref<128xi32, #tpu.memory_space<vmem>>)
      tpu.yield
    }) : () -> ()
    %dma_start3A_49 = arith.constant 0 : i32
    %dma_start3A_50 = arith.constant 0 : i32
    %dma_start3A_51 = tpu.memref_slice %arg9[%dma_start3A_49, %dma_start3A_50] : memref<640x128xf32, #tpu.memory_space<vmem>> -> memref<128x128xf32, #tpu.memory_space<vmem>>
    %dma_start3A_52 = arith.constant 0 : i32
    %dma_start3A_53 = arith.constant 0 : i32
    %dma_start3A_54 = tpu.memref_slice %arg3[%dma_start3A_52, %dma_start3A_53] : memref<1000000x128xf32, #tpu.memory_space<hbm>> -> memref<1000000x128xf32, #tpu.memory_space<hbm>>
    tpu.enqueue_indirect_dma source(%dma_start3A_54 : memref<1000000x128xf32, #tpu.memory_space<hbm>>) target(%dma_start3A_51 : memref<128x128xf32, #tpu.memory_space<vmem>>) offsets(%arg5 : memref<128xi32, #tpu.memory_space<vmem>>) semaphore(%arg10 : memref<!tpu.dma_semaphore, #tpu.memory_space<semaphore_mem>>)
    %add3A_55 = arith.constant 128 : i32
    %add3A_56 = arith.addi %mul3A_2, %add3A_55 : i32
    %sub3A_57 = arith.constant 4096 : i32
    %sub3A_58 = arith.subi %add3A_56, %sub3A_57 : i32
    %max3A_59 = arith.constant 0 : i32
    %max3A_60 = arith.maxsi %sub3A_58, %max3A_59 : i32
    %multiple_of3A_61 = tpu.assume_multiple %max3A_60, 8 : i32
    "tpu.region"() ({
      %run_scoped3A = tpu.sem_alloc : memref<!tpu.dma_semaphore, #tpu.memory_space<semaphore_mem>>
      %dma_start3A_273 = tpu.memref_slice %arg2[%multiple_of3A_61] : memref<819200xi32, #tpu.memory_space<hbm>> -> memref<128xi32, #tpu.memory_space<hbm>>
      %dma_start3A_274 = tpu.memref_slice %arg2[%multiple_of3A_61] : memref<819200xi32, #tpu.memory_space<hbm>> -> memref<128xi32, #tpu.memory_space<hbm>>
      tpu.enqueue_dma source(%dma_start3A_274 : memref<128xi32, #tpu.memory_space<hbm>>) target(%arg6 : memref<128xi32, #tpu.memory_space<vmem>>) target_semaphore(%run_scoped3A : memref<!tpu.dma_semaphore, #tpu.memory_space<semaphore_mem>>)
      %dma_wait3A_275 = tpu.memref_slice %arg2[%multiple_of3A_61] : memref<819200xi32, #tpu.memory_space<hbm>> -> memref<128xi32, #tpu.memory_space<hbm>>
      %dma_wait3A_276 = tpu.memref_slice %arg2[%multiple_of3A_61] : memref<819200xi32, #tpu.memory_space<hbm>> -> memref<128xi32, #tpu.memory_space<hbm>>
      tpu.wait_dma2 semaphore(%run_scoped3A : memref<!tpu.dma_semaphore, #tpu.memory_space<semaphore_mem>>) src(%dma_wait3A_276 : memref<128xi32, #tpu.memory_space<hbm>>) dst(%arg6 : memref<128xi32, #tpu.memory_space<vmem>>)
      tpu.yield
    }) : () -> ()
    %dma_start3A_62 = arith.constant 128 : i32
    %dma_start3A_63 = arith.constant 0 : i32
    %dma_start3A_64 = tpu.memref_slice %arg9[%dma_start3A_62, %dma_start3A_63] : memref<640x128xf32, #tpu.memory_space<vmem>> -> memref<128x128xf32, #tpu.memory_space<vmem>>
    %dma_start3A_65 = arith.constant 0 : i32
    %dma_start3A_66 = arith.constant 0 : i32
    %dma_start3A_67 = tpu.memref_slice %arg3[%dma_start3A_65, %dma_start3A_66] : memref<1000000x128xf32, #tpu.memory_space<hbm>> -> memref<1000000x128xf32, #tpu.memory_space<hbm>>
    tpu.enqueue_indirect_dma source(%dma_start3A_67 : memref<1000000x128xf32, #tpu.memory_space<hbm>>) target(%dma_start3A_64 : memref<128x128xf32, #tpu.memory_space<vmem>>) offsets(%arg6 : memref<128xi32, #tpu.memory_space<vmem>>) semaphore(%arg11 : memref<!tpu.dma_semaphore, #tpu.memory_space<semaphore_mem>>)
    %add3A_68 = arith.constant 256 : i32
    %add3A_69 = arith.addi %mul3A_2, %add3A_68 : i32
    %sub3A_70 = arith.constant 4096 : i32
    %sub3A_71 = arith.subi %add3A_69, %sub3A_70 : i32
    %max3A_72 = arith.constant 0 : i32
    %max3A_73 = arith.maxsi %sub3A_71, %max3A_72 : i32
    %multiple_of3A_74 = tpu.assume_multiple %max3A_73, 8 : i32
    "tpu.region"() ({
      %run_scoped3A = tpu.sem_alloc : memref<!tpu.dma_semaphore, #tpu.memory_space<semaphore_mem>>
      %dma_start3A_273 = tpu.memref_slice %arg2[%multiple_of3A_74] : memref<819200xi32, #tpu.memory_space<hbm>> -> memref<128xi32, #tpu.memory_space<hbm>>
      %dma_start3A_274 = tpu.memref_slice %arg2[%multiple_of3A_74] : memref<819200xi32, #tpu.memory_space<hbm>> -> memref<128xi32, #tpu.memory_space<hbm>>
      tpu.enqueue_dma source(%dma_start3A_274 : memref<128xi32, #tpu.memory_space<hbm>>) target(%arg7 : memref<128xi32, #tpu.memory_space<vmem>>) target_semaphore(%run_scoped3A : memref<!tpu.dma_semaphore, #tpu.memory_space<semaphore_mem>>)
      %dma_wait3A_275 = tpu.memref_slice %arg2[%multiple_of3A_74] : memref<819200xi32, #tpu.memory_space<hbm>> -> memref<128xi32, #tpu.memory_space<hbm>>
      %dma_wait3A_276 = tpu.memref_slice %arg2[%multiple_of3A_74] : memref<819200xi32, #tpu.memory_space<hbm>> -> memref<128xi32, #tpu.memory_space<hbm>>
      tpu.wait_dma2 semaphore(%run_scoped3A : memref<!tpu.dma_semaphore, #tpu.memory_space<semaphore_mem>>) src(%dma_wait3A_276 : memref<128xi32, #tpu.memory_space<hbm>>) dst(%arg7 : memref<128xi32, #tpu.memory_space<vmem>>)
      tpu.yield
    }) : () -> ()
    %dma_start3A_75 = arith.constant 256 : i32
    %dma_start3A_76 = arith.constant 0 : i32
    %dma_start3A_77 = tpu.memref_slice %arg9[%dma_start3A_75, %dma_start3A_76] : memref<640x128xf32, #tpu.memory_space<vmem>> -> memref<128x128xf32, #tpu.memory_space<vmem>>
    %dma_start3A_78 = arith.constant 0 : i32
    %dma_start3A_79 = arith.constant 0 : i32
    %dma_start3A_80 = tpu.memref_slice %arg3[%dma_start3A_78, %dma_start3A_79] : memref<1000000x128xf32, #tpu.memory_space<hbm>> -> memref<1000000x128xf32, #tpu.memory_space<hbm>>
    tpu.enqueue_indirect_dma source(%dma_start3A_80 : memref<1000000x128xf32, #tpu.memory_space<hbm>>) target(%dma_start3A_77 : memref<128x128xf32, #tpu.memory_space<vmem>>) offsets(%arg7 : memref<128xi32, #tpu.memory_space<vmem>>) semaphore(%arg12 : memref<!tpu.dma_semaphore, #tpu.memory_space<semaphore_mem>>)
    %add3A_81 = arith.constant 384 : i32
    %add3A_82 = arith.addi %mul3A_2, %add3A_81 : i32
    %sub3A_83 = arith.constant 4096 : i32
    %sub3A_84 = arith.subi %add3A_82, %sub3A_83 : i32
    %max3A_85 = arith.constant 0 : i32
    %max3A_86 = arith.maxsi %sub3A_84, %max3A_85 : i32
    %multiple_of3A_87 = tpu.assume_multiple %max3A_86, 8 : i32
    "tpu.region"() ({
      %run_scoped3A = tpu.sem_alloc : memref<!tpu.dma_semaphore, #tpu.memory_space<semaphore_mem>>
      %dma_start3A_273 = tpu.memref_slice %arg2[%multiple_of3A_87] : memref<819200xi32, #tpu.memory_space<hbm>> -> memref<128xi32, #tpu.memory_space<hbm>>
      %dma_start3A_274 = tpu.memref_slice %arg2[%multiple_of3A_87] : memref<819200xi32, #tpu.memory_space<hbm>> -> memref<128xi32, #tpu.memory_space<hbm>>
      tpu.enqueue_dma source(%dma_start3A_274 : memref<128xi32, #tpu.memory_space<hbm>>) target(%arg8 : memref<128xi32, #tpu.memory_space<vmem>>) target_semaphore(%run_scoped3A : memref<!tpu.dma_semaphore, #tpu.memory_space<semaphore_mem>>)
      %dma_wait3A_275 = tpu.memref_slice %arg2[%multiple_of3A_87] : memref<819200xi32, #tpu.memory_space<hbm>> -> memref<128xi32, #tpu.memory_space<hbm>>
      %dma_wait3A_276 = tpu.memref_slice %arg2[%multiple_of3A_87] : memref<819200xi32, #tpu.memory_space<hbm>> -> memref<128xi32, #tpu.memory_space<hbm>>
      tpu.wait_dma2 semaphore(%run_scoped3A : memref<!tpu.dma_semaphore, #tpu.memory_space<semaphore_mem>>) src(%dma_wait3A_276 : memref<128xi32, #tpu.memory_space<hbm>>) dst(%arg8 : memref<128xi32, #tpu.memory_space<vmem>>)
      tpu.yield
    }) : () -> ()
    %dma_start3A_88 = arith.constant 384 : i32
    %dma_start3A_89 = arith.constant 0 : i32
    %dma_start3A_90 = tpu.memref_slice %arg9[%dma_start3A_88, %dma_start3A_89] : memref<640x128xf32, #tpu.memory_space<vmem>> -> memref<128x128xf32, #tpu.memory_space<vmem>>
    %dma_start3A_91 = arith.constant 0 : i32
    %dma_start3A_92 = arith.constant 0 : i32
    %dma_start3A_93 = tpu.memref_slice %arg3[%dma_start3A_91, %dma_start3A_92] : memref<1000000x128xf32, #tpu.memory_space<hbm>> -> memref<1000000x128xf32, #tpu.memory_space<hbm>>
    tpu.enqueue_indirect_dma source(%dma_start3A_93 : memref<1000000x128xf32, #tpu.memory_space<hbm>>) target(%dma_start3A_90 : memref<128x128xf32, #tpu.memory_space<vmem>>) offsets(%arg8 : memref<128xi32, #tpu.memory_space<vmem>>) semaphore(%arg13 : memref<!tpu.dma_semaphore, #tpu.memory_space<semaphore_mem>>)
    %scan3A = arith.constant 0 : i32
    %scan3A_94 = arith.constant 0 : i32
    %scan3A_95 = arith.constant 49 : i32
    %scan3A_96 = arith.addi %scan3A_94, %scan3A_95 : i32
    %scan3A_97 = arith.constant 1 : i32
    scf.for %scan3A_273 = %scan3A_94 to %scan3A_96 step %scan3A_97  : i32 {
      %mul3A_274 = arith.constant 4 : i32
      %mul3A_275 = arith.muli %mul3A_274, %scan3A_273 : i32
      %add3A_276 = arith.constant 0 : i32
      %add3A_277 = arith.addi %mul3A_275, %add3A_276 : i32
      %mul3A_278 = arith.constant 128 : i32
      %mul3A_279 = arith.muli %add3A_277, %mul3A_278 : i32
      %add3A_280 = arith.addi %mul3A_2, %mul3A_279 : i32
      %dma_wait3A_281 = arith.constant 0 : i32
      %dma_wait3A_282 = arith.constant 0 : i32
      %dma_wait3A_283 = tpu.memref_slice %arg9[%dma_wait3A_281, %dma_wait3A_282] : memref<640x128xf32, #tpu.memory_space<vmem>> -> memref<128x128xf32, #tpu.memory_space<vmem>>
      %dma_wait3A_284 = arith.constant 0 : i32
      %dma_wait3A_285 = arith.constant 0 : i32
      %dma_wait3A_286 = tpu.memref_slice %arg3[%dma_wait3A_284, %dma_wait3A_285] : memref<1000000x128xf32, #tpu.memory_space<hbm>> -> memref<1000000x128xf32, #tpu.memory_space<hbm>>
      tpu.wait_indirect_dma semaphore(%arg10 : memref<!tpu.dma_semaphore, #tpu.memory_space<semaphore_mem>>) src(%dma_wait3A_286 : memref<1000000x128xf32, #tpu.memory_space<hbm>>) dst(%dma_wait3A_283 : memref<128x128xf32, #tpu.memory_space<vmem>>)
      %lt3A_287 = arith.constant 4096 : i32
      %lt3A_288 = arith.cmpi slt, %add3A_280, %lt3A_287 : i32
      %jit3A_289 = arith.constant 512 : i32
      %jit3A_290 = arith.constant 0 : i32
      %select_n3A_291 = arith.select %lt3A_288, %jit3A_289, %jit3A_290 : i32
      %multiple_of3A_292 = tpu.assume_multiple %select_n3A_291, 8 : i32
      %dma_start3A_293 = arith.constant 0 : i32
      %dma_start3A_294 = tpu.memref_slice %arg9[%multiple_of3A_292, %dma_start3A_293] : memref<640x128xf32, #tpu.memory_space<vmem>> -> memref<128x128xf32, #tpu.memory_space<vmem>>
      %dma_start3A_295 = arith.constant 0 : i32
      %dma_start3A_296 = tpu.memref_slice %arg4[%add3A_280, %dma_start3A_295] : memref<823296x128xf32, #tpu.memory_space<hbm>> -> memref<128x128xf32, #tpu.memory_space<hbm>>
      %dma_start3A_297 = arith.constant 0 : i32
      %dma_start3A_298 = tpu.memref_slice %arg4[%add3A_280, %dma_start3A_297] : memref<823296x128xf32, #tpu.memory_space<hbm>> -> memref<128x128xf32, #tpu.memory_space<hbm>>
      %dma_start3A_299 = arith.constant 0 : i32
      %dma_start3A_300 = tpu.memref_slice %arg9[%multiple_of3A_292, %dma_start3A_299] : memref<640x128xf32, #tpu.memory_space<vmem>> -> memref<128x128xf32, #tpu.memory_space<vmem>>
      tpu.enqueue_dma source(%dma_start3A_300 : memref<128x128xf32, #tpu.memory_space<vmem>>) target(%dma_start3A_298 : memref<128x128xf32, #tpu.memory_space<hbm>>) target_semaphore(%arg14 : memref<!tpu.dma_semaphore, #tpu.memory_space<semaphore_mem>>)
      %add3A_301 = arith.constant 4 : i32
      %add3A_302 = arith.addi %add3A_277, %add3A_301 : i32
      %mul3A_303 = arith.constant 128 : i32
      %mul3A_304 = arith.muli %add3A_302, %mul3A_303 : i32
      %add3A_305 = arith.addi %mul3A_2, %mul3A_304 : i32
      %sub3A_306 = arith.constant 4096 : i32
      %sub3A_307 = arith.subi %add3A_305, %sub3A_306 : i32
      %max3A_308 = arith.constant 0 : i32
      %max3A_309 = arith.maxsi %sub3A_307, %max3A_308 : i32
      %multiple_of3A_310 = tpu.assume_multiple %max3A_309, 8 : i32
      "tpu.region"() ({
        %run_scoped3A = tpu.sem_alloc : memref<!tpu.dma_semaphore, #tpu.memory_space<semaphore_mem>>
        %dma_start3A_478 = tpu.memref_slice %arg2[%multiple_of3A_310] : memref<819200xi32, #tpu.memory_space<hbm>> -> memref<128xi32, #tpu.memory_space<hbm>>
        %dma_start3A_479 = tpu.memref_slice %arg2[%multiple_of3A_310] : memref<819200xi32, #tpu.memory_space<hbm>> -> memref<128xi32, #tpu.memory_space<hbm>>
        tpu.enqueue_dma source(%dma_start3A_479 : memref<128xi32, #tpu.memory_space<hbm>>) target(%arg5 : memref<128xi32, #tpu.memory_space<vmem>>) target_semaphore(%run_scoped3A : memref<!tpu.dma_semaphore, #tpu.memory_space<semaphore_mem>>)
        %dma_wait3A_480 = tpu.memref_slice %arg2[%multiple_of3A_310] : memref<819200xi32, #tpu.memory_space<hbm>> -> memref<128xi32, #tpu.memory_space<hbm>>
        %dma_wait3A_481 = tpu.memref_slice %arg2[%multiple_of3A_310] : memref<819200xi32, #tpu.memory_space<hbm>> -> memref<128xi32, #tpu.memory_space<hbm>>
        tpu.wait_dma2 semaphore(%run_scoped3A : memref<!tpu.dma_semaphore, #tpu.memory_space<semaphore_mem>>) src(%dma_wait3A_481 : memref<128xi32, #tpu.memory_space<hbm>>) dst(%arg5 : memref<128xi32, #tpu.memory_space<vmem>>)
        tpu.yield
      }) : () -> ()
      %dma_wait3A_311 = arith.constant 0 : i32
      %dma_wait3A_312 = tpu.memref_slice %arg9[%multiple_of3A_292, %dma_wait3A_311] : memref<640x128xf32, #tpu.memory_space<vmem>> -> memref<128x128xf32, #tpu.memory_space<vmem>>
      %dma_wait3A_313 = arith.constant 0 : i32
      %dma_wait3A_314 = tpu.memref_slice %arg4[%add3A_280, %dma_wait3A_313] : memref<823296x128xf32, #tpu.memory_space<hbm>> -> memref<128x128xf32, #tpu.memory_space<hbm>>
      %dma_wait3A_315 = arith.constant 0 : i32
      %dma_wait3A_316 = tpu.memref_slice %arg4[%add3A_280, %dma_wait3A_315] : memref<823296x128xf32, #tpu.memory_space<hbm>> -> memref<128x128xf32, #tpu.memory_space<hbm>>
      %dma_wait3A_317 = arith.constant 0 : i32
      %dma_wait3A_318 = tpu.memref_slice %arg9[%multiple_of3A_292, %dma_wait3A_317] : memref<640x128xf32, #tpu.memory_space<vmem>> -> memref<128x128xf32, #tpu.memory_space<vmem>>
      tpu.wait_dma2 semaphore(%arg14 : memref<!tpu.dma_semaphore, #tpu.memory_space<semaphore_mem>>) src(%dma_wait3A_318 : memref<128x128xf32, #tpu.memory_space<vmem>>) dst(%dma_wait3A_316 : memref<128x128xf32, #tpu.memory_space<hbm>>)
      %dma_start3A_319 = arith.constant 0 : i32
      %dma_start3A_320 = arith.constant 0 : i32
      %dma_start3A_321 = tpu.memref_slice %arg9[%dma_start3A_319, %dma_start3A_320] : memref<640x128xf32, #tpu.memory_space<vmem>> -> memref<128x128xf32, #tpu.memory_space<vmem>>
      %dma_start3A_322 = arith.constant 0 : i32
      %dma_start3A_323 = arith.constant 0 : i32
      %dma_start3A_324 = tpu.memref_slice %arg3[%dma_start3A_322, %dma_start3A_323] : memref<1000000x128xf32, #tpu.memory_space<hbm>> -> memref<1000000x128xf32, #tpu.memory_space<hbm>>
      tpu.enqueue_indirect_dma source(%dma_start3A_324 : memref<1000000x128xf32, #tpu.memory_space<hbm>>) target(%dma_start3A_321 : memref<128x128xf32, #tpu.memory_space<vmem>>) offsets(%arg5 : memref<128xi32, #tpu.memory_space<vmem>>) semaphore(%arg10 : memref<!tpu.dma_semaphore, #tpu.memory_space<semaphore_mem>>)
      %mul3A_325 = arith.constant 4 : i32
      %mul3A_326 = arith.muli %mul3A_325, %scan3A_273 : i32
      %add3A_327 = arith.constant 1 : i32
      %add3A_328 = arith.addi %mul3A_326, %add3A_327 : i32
      %mul3A_329 = arith.constant 128 : i32
      %mul3A_330 = arith.muli %add3A_328, %mul3A_329 : i32
      %add3A_331 = arith.addi %mul3A_2, %mul3A_330 : i32
      %dma_wait3A_332 = arith.constant 128 : i32
      %dma_wait3A_333 = arith.constant 0 : i32
      %dma_wait3A_334 = tpu.memref_slice %arg9[%dma_wait3A_332, %dma_wait3A_333] : memref<640x128xf32, #tpu.memory_space<vmem>> -> memref<128x128xf32, #tpu.memory_space<vmem>>
      %dma_wait3A_335 = arith.constant 0 : i32
      %dma_wait3A_336 = arith.constant 0 : i32
      %dma_wait3A_337 = tpu.memref_slice %arg3[%dma_wait3A_335, %dma_wait3A_336] : memref<1000000x128xf32, #tpu.memory_space<hbm>> -> memref<1000000x128xf32, #tpu.memory_space<hbm>>
      tpu.wait_indirect_dma semaphore(%arg11 : memref<!tpu.dma_semaphore, #tpu.memory_space<semaphore_mem>>) src(%dma_wait3A_337 : memref<1000000x128xf32, #tpu.memory_space<hbm>>) dst(%dma_wait3A_334 : memref<128x128xf32, #tpu.memory_space<vmem>>)
      %lt3A_338 = arith.constant 4096 : i32
      %lt3A_339 = arith.cmpi slt, %add3A_331, %lt3A_338 : i32
      %jit3A_340 = arith.constant 512 : i32
      %jit3A_341 = arith.constant 128 : i32
      %select_n3A_342 = arith.select %lt3A_339, %jit3A_340, %jit3A_341 : i32
      %multiple_of3A_343 = tpu.assume_multiple %select_n3A_342, 8 : i32
      %dma_start3A_344 = arith.constant 0 : i32
      %dma_start3A_345 = tpu.memref_slice %arg9[%multiple_of3A_343, %dma_start3A_344] : memref<640x128xf32, #tpu.memory_space<vmem>> -> memref<128x128xf32, #tpu.memory_space<vmem>>
      %dma_start3A_346 = arith.constant 0 : i32
      %dma_start3A_347 = tpu.memref_slice %arg4[%add3A_331, %dma_start3A_346] : memref<823296x128xf32, #tpu.memory_space<hbm>> -> memref<128x128xf32, #tpu.memory_space<hbm>>
      %dma_start3A_348 = arith.constant 0 : i32
      %dma_start3A_349 = tpu.memref_slice %arg4[%add3A_331, %dma_start3A_348] : memref<823296x128xf32, #tpu.memory_space<hbm>> -> memref<128x128xf32, #tpu.memory_space<hbm>>
      %dma_start3A_350 = arith.constant 0 : i32
      %dma_start3A_351 = tpu.memref_slice %arg9[%multiple_of3A_343, %dma_start3A_350] : memref<640x128xf32, #tpu.memory_space<vmem>> -> memref<128x128xf32, #tpu.memory_space<vmem>>
      tpu.enqueue_dma source(%dma_start3A_351 : memref<128x128xf32, #tpu.memory_space<vmem>>) target(%dma_start3A_349 : memref<128x128xf32, #tpu.memory_space<hbm>>) target_semaphore(%arg15 : memref<!tpu.dma_semaphore, #tpu.memory_space<semaphore_mem>>)
      %add3A_352 = arith.constant 4 : i32
      %add3A_353 = arith.addi %add3A_328, %add3A_352 : i32
      %mul3A_354 = arith.constant 128 : i32
      %mul3A_355 = arith.muli %add3A_353, %mul3A_354 : i32
      %add3A_356 = arith.addi %mul3A_2, %mul3A_355 : i32
      %sub3A_357 = arith.constant 4096 : i32
      %sub3A_358 = arith.subi %add3A_356, %sub3A_357 : i32
      %max3A_359 = arith.constant 0 : i32
      %max3A_360 = arith.maxsi %sub3A_358, %max3A_359 : i32
      %multiple_of3A_361 = tpu.assume_multiple %max3A_360, 8 : i32
      "tpu.region"() ({
        %run_scoped3A = tpu.sem_alloc : memref<!tpu.dma_semaphore, #tpu.memory_space<semaphore_mem>>
        %dma_start3A_478 = tpu.memref_slice %arg2[%multiple_of3A_361] : memref<819200xi32, #tpu.memory_space<hbm>> -> memref<128xi32, #tpu.memory_space<hbm>>
        %dma_start3A_479 = tpu.memref_slice %arg2[%multiple_of3A_361] : memref<819200xi32, #tpu.memory_space<hbm>> -> memref<128xi32, #tpu.memory_space<hbm>>
        tpu.enqueue_dma source(%dma_start3A_479 : memref<128xi32, #tpu.memory_space<hbm>>) target(%arg6 : memref<128xi32, #tpu.memory_space<vmem>>) target_semaphore(%run_scoped3A : memref<!tpu.dma_semaphore, #tpu.memory_space<semaphore_mem>>)
        %dma_wait3A_480 = tpu.memref_slice %arg2[%multiple_of3A_361] : memref<819200xi32, #tpu.memory_space<hbm>> -> memref<128xi32, #tpu.memory_space<hbm>>
        %dma_wait3A_481 = tpu.memref_slice %arg2[%multiple_of3A_361] : memref<819200xi32, #tpu.memory_space<hbm>> -> memref<128xi32, #tpu.memory_space<hbm>>
        tpu.wait_dma2 semaphore(%run_scoped3A : memref<!tpu.dma_semaphore, #tpu.memory_space<semaphore_mem>>) src(%dma_wait3A_481 : memref<128xi32, #tpu.memory_space<hbm>>) dst(%arg6 : memref<128xi32, #tpu.memory_space<vmem>>)
        tpu.yield
      }) : () -> ()
      %dma_wait3A_362 = arith.constant 0 : i32
      %dma_wait3A_363 = tpu.memref_slice %arg9[%multiple_of3A_343, %dma_wait3A_362] : memref<640x128xf32, #tpu.memory_space<vmem>> -> memref<128x128xf32, #tpu.memory_space<vmem>>
      %dma_wait3A_364 = arith.constant 0 : i32
      %dma_wait3A_365 = tpu.memref_slice %arg4[%add3A_331, %dma_wait3A_364] : memref<823296x128xf32, #tpu.memory_space<hbm>> -> memref<128x128xf32, #tpu.memory_space<hbm>>
      %dma_wait3A_366 = arith.constant 0 : i32
      %dma_wait3A_367 = tpu.memref_slice %arg4[%add3A_331, %dma_wait3A_366] : memref<823296x128xf32, #tpu.memory_space<hbm>> -> memref<128x128xf32, #tpu.memory_space<hbm>>
      %dma_wait3A_368 = arith.constant 0 : i32
      %dma_wait3A_369 = tpu.memref_slice %arg9[%multiple_of3A_343, %dma_wait3A_368] : memref<640x128xf32, #tpu.memory_space<vmem>> -> memref<128x128xf32, #tpu.memory_space<vmem>>
      tpu.wait_dma2 semaphore(%arg15 : memref<!tpu.dma_semaphore, #tpu.memory_space<semaphore_mem>>) src(%dma_wait3A_369 : memref<128x128xf32, #tpu.memory_space<vmem>>) dst(%dma_wait3A_367 : memref<128x128xf32, #tpu.memory_space<hbm>>)
      %dma_start3A_370 = arith.constant 128 : i32
      %dma_start3A_371 = arith.constant 0 : i32
      %dma_start3A_372 = tpu.memref_slice %arg9[%dma_start3A_370, %dma_start3A_371] : memref<640x128xf32, #tpu.memory_space<vmem>> -> memref<128x128xf32, #tpu.memory_space<vmem>>
      %dma_start3A_373 = arith.constant 0 : i32
      %dma_start3A_374 = arith.constant 0 : i32
      %dma_start3A_375 = tpu.memref_slice %arg3[%dma_start3A_373, %dma_start3A_374] : memref<1000000x128xf32, #tpu.memory_space<hbm>> -> memref<1000000x128xf32, #tpu.memory_space<hbm>>
      tpu.enqueue_indirect_dma source(%dma_start3A_375 : memref<1000000x128xf32, #tpu.memory_space<hbm>>) target(%dma_start3A_372 : memref<128x128xf32, #tpu.memory_space<vmem>>) offsets(%arg6 : memref<128xi32, #tpu.memory_space<vmem>>) semaphore(%arg11 : memref<!tpu.dma_semaphore, #tpu.memory_space<semaphore_mem>>)
      %mul3A_376 = arith.constant 4 : i32
      %mul3A_377 = arith.muli %mul3A_376, %scan3A_273 : i32
      %add3A_378 = arith.constant 2 : i32
      %add3A_379 = arith.addi %mul3A_377, %add3A_378 : i32
      %mul3A_380 = arith.constant 128 : i32
      %mul3A_381 = arith.muli %add3A_379, %mul3A_380 : i32
      %add3A_382 = arith.addi %mul3A_2, %mul3A_381 : i32
      %dma_wait3A_383 = arith.constant 256 : i32
      %dma_wait3A_384 = arith.constant 0 : i32
      %dma_wait3A_385 = tpu.memref_slice %arg9[%dma_wait3A_383, %dma_wait3A_384] : memref<640x128xf32, #tpu.memory_space<vmem>> -> memref<128x128xf32, #tpu.memory_space<vmem>>
      %dma_wait3A_386 = arith.constant 0 : i32
      %dma_wait3A_387 = arith.constant 0 : i32
      %dma_wait3A_388 = tpu.memref_slice %arg3[%dma_wait3A_386, %dma_wait3A_387] : memref<1000000x128xf32, #tpu.memory_space<hbm>> -> memref<1000000x128xf32, #tpu.memory_space<hbm>>
      tpu.wait_indirect_dma semaphore(%arg12 : memref<!tpu.dma_semaphore, #tpu.memory_space<semaphore_mem>>) src(%dma_wait3A_388 : memref<1000000x128xf32, #tpu.memory_space<hbm>>) dst(%dma_wait3A_385 : memref<128x128xf32, #tpu.memory_space<vmem>>)
      %lt3A_389 = arith.constant 4096 : i32
      %lt3A_390 = arith.cmpi slt, %add3A_382, %lt3A_389 : i32
      %jit3A_391 = arith.constant 512 : i32
      %jit3A_392 = arith.constant 256 : i32
      %select_n3A_393 = arith.select %lt3A_390, %jit3A_391, %jit3A_392 : i32
      %multiple_of3A_394 = tpu.assume_multiple %select_n3A_393, 8 : i32
      %dma_start3A_395 = arith.constant 0 : i32
      %dma_start3A_396 = tpu.memref_slice %arg9[%multiple_of3A_394, %dma_start3A_395] : memref<640x128xf32, #tpu.memory_space<vmem>> -> memref<128x128xf32, #tpu.memory_space<vmem>>
      %dma_start3A_397 = arith.constant 0 : i32
      %dma_start3A_398 = tpu.memref_slice %arg4[%add3A_382, %dma_start3A_397] : memref<823296x128xf32, #tpu.memory_space<hbm>> -> memref<128x128xf32, #tpu.memory_space<hbm>>
      %dma_start3A_399 = arith.constant 0 : i32
      %dma_start3A_400 = tpu.memref_slice %arg4[%add3A_382, %dma_start3A_399] : memref<823296x128xf32, #tpu.memory_space<hbm>> -> memref<128x128xf32, #tpu.memory_space<hbm>>
      %dma_start3A_401 = arith.constant 0 : i32
      %dma_start3A_402 = tpu.memref_slice %arg9[%multiple_of3A_394, %dma_start3A_401] : memref<640x128xf32, #tpu.memory_space<vmem>> -> memref<128x128xf32, #tpu.memory_space<vmem>>
      tpu.enqueue_dma source(%dma_start3A_402 : memref<128x128xf32, #tpu.memory_space<vmem>>) target(%dma_start3A_400 : memref<128x128xf32, #tpu.memory_space<hbm>>) target_semaphore(%arg16 : memref<!tpu.dma_semaphore, #tpu.memory_space<semaphore_mem>>)
      %add3A_403 = arith.constant 4 : i32
      %add3A_404 = arith.addi %add3A_379, %add3A_403 : i32
      %mul3A_405 = arith.constant 128 : i32
      %mul3A_406 = arith.muli %add3A_404, %mul3A_405 : i32
      %add3A_407 = arith.addi %mul3A_2, %mul3A_406 : i32
      %sub3A_408 = arith.constant 4096 : i32
      %sub3A_409 = arith.subi %add3A_407, %sub3A_408 : i32
      %max3A_410 = arith.constant 0 : i32
      %max3A_411 = arith.maxsi %sub3A_409, %max3A_410 : i32
      %multiple_of3A_412 = tpu.assume_multiple %max3A_411, 8 : i32
      "tpu.region"() ({
        %run_scoped3A = tpu.sem_alloc : memref<!tpu.dma_semaphore, #tpu.memory_space<semaphore_mem>>
        %dma_start3A_478 = tpu.memref_slice %arg2[%multiple_of3A_412] : memref<819200xi32, #tpu.memory_space<hbm>> -> memref<128xi32, #tpu.memory_space<hbm>>
        %dma_start3A_479 = tpu.memref_slice %arg2[%multiple_of3A_412] : memref<819200xi32, #tpu.memory_space<hbm>> -> memref<128xi32, #tpu.memory_space<hbm>>
        tpu.enqueue_dma source(%dma_start3A_479 : memref<128xi32, #tpu.memory_space<hbm>>) target(%arg7 : memref<128xi32, #tpu.memory_space<vmem>>) target_semaphore(%run_scoped3A : memref<!tpu.dma_semaphore, #tpu.memory_space<semaphore_mem>>)
        %dma_wait3A_480 = tpu.memref_slice %arg2[%multiple_of3A_412] : memref<819200xi32, #tpu.memory_space<hbm>> -> memref<128xi32, #tpu.memory_space<hbm>>
        %dma_wait3A_481 = tpu.memref_slice %arg2[%multiple_of3A_412] : memref<819200xi32, #tpu.memory_space<hbm>> -> memref<128xi32, #tpu.memory_space<hbm>>
        tpu.wait_dma2 semaphore(%run_scoped3A : memref<!tpu.dma_semaphore, #tpu.memory_space<semaphore_mem>>) src(%dma_wait3A_481 : memref<128xi32, #tpu.memory_space<hbm>>) dst(%arg7 : memref<128xi32, #tpu.memory_space<vmem>>)
        tpu.yield
      }) : () -> ()
      %dma_wait3A_413 = arith.constant 0 : i32
      %dma_wait3A_414 = tpu.memref_slice %arg9[%multiple_of3A_394, %dma_wait3A_413] : memref<640x128xf32, #tpu.memory_space<vmem>> -> memref<128x128xf32, #tpu.memory_space<vmem>>
      %dma_wait3A_415 = arith.constant 0 : i32
      %dma_wait3A_416 = tpu.memref_slice %arg4[%add3A_382, %dma_wait3A_415] : memref<823296x128xf32, #tpu.memory_space<hbm>> -> memref<128x128xf32, #tpu.memory_space<hbm>>
      %dma_wait3A_417 = arith.constant 0 : i32
      %dma_wait3A_418 = tpu.memref_slice %arg4[%add3A_382, %dma_wait3A_417] : memref<823296x128xf32, #tpu.memory_space<hbm>> -> memref<128x128xf32, #tpu.memory_space<hbm>>
      %dma_wait3A_419 = arith.constant 0 : i32
      %dma_wait3A_420 = tpu.memref_slice %arg9[%multiple_of3A_394, %dma_wait3A_419] : memref<640x128xf32, #tpu.memory_space<vmem>> -> memref<128x128xf32, #tpu.memory_space<vmem>>
      tpu.wait_dma2 semaphore(%arg16 : memref<!tpu.dma_semaphore, #tpu.memory_space<semaphore_mem>>) src(%dma_wait3A_420 : memref<128x128xf32, #tpu.memory_space<vmem>>) dst(%dma_wait3A_418 : memref<128x128xf32, #tpu.memory_space<hbm>>)
      %dma_start3A_421 = arith.constant 256 : i32
      %dma_start3A_422 = arith.constant 0 : i32
      %dma_start3A_423 = tpu.memref_slice %arg9[%dma_start3A_421, %dma_start3A_422] : memref<640x128xf32, #tpu.memory_space<vmem>> -> memref<128x128xf32, #tpu.memory_space<vmem>>
      %dma_start3A_424 = arith.constant 0 : i32
      %dma_start3A_425 = arith.constant 0 : i32
      %dma_start3A_426 = tpu.memref_slice %arg3[%dma_start3A_424, %dma_start3A_425] : memref<1000000x128xf32, #tpu.memory_space<hbm>> -> memref<1000000x128xf32, #tpu.memory_space<hbm>>
      tpu.enqueue_indirect_dma source(%dma_start3A_426 : memref<1000000x128xf32, #tpu.memory_space<hbm>>) target(%dma_start3A_423 : memref<128x128xf32, #tpu.memory_space<vmem>>) offsets(%arg7 : memref<128xi32, #tpu.memory_space<vmem>>) semaphore(%arg12 : memref<!tpu.dma_semaphore, #tpu.memory_space<semaphore_mem>>)
      %mul3A_427 = arith.constant 4 : i32
      %mul3A_428 = arith.muli %mul3A_427, %scan3A_273 : i32
      %add3A_429 = arith.constant 3 : i32
      %add3A_430 = arith.addi %mul3A_428, %add3A_429 : i32
      %mul3A_431 = arith.constant 128 : i32
      %mul3A_432 = arith.muli %add3A_430, %mul3A_431 : i32
      %add3A_433 = arith.addi %mul3A_2, %mul3A_432 : i32
      %dma_wait3A_434 = arith.constant 384 : i32
      %dma_wait3A_435 = arith.constant 0 : i32
      %dma_wait3A_436 = tpu.memref_slice %arg9[%dma_wait3A_434, %dma_wait3A_435] : memref<640x128xf32, #tpu.memory_space<vmem>> -> memref<128x128xf32, #tpu.memory_space<vmem>>
      %dma_wait3A_437 = arith.constant 0 : i32
      %dma_wait3A_438 = arith.constant 0 : i32
      %dma_wait3A_439 = tpu.memref_slice %arg3[%dma_wait3A_437, %dma_wait3A_438] : memref<1000000x128xf32, #tpu.memory_space<hbm>> -> memref<1000000x128xf32, #tpu.memory_space<hbm>>
      tpu.wait_indirect_dma semaphore(%arg13 : memref<!tpu.dma_semaphore, #tpu.memory_space<semaphore_mem>>) src(%dma_wait3A_439 : memref<1000000x128xf32, #tpu.memory_space<hbm>>) dst(%dma_wait3A_436 : memref<128x128xf32, #tpu.memory_space<vmem>>)
      %lt3A_440 = arith.constant 4096 : i32
      %lt3A_441 = arith.cmpi slt, %add3A_433, %lt3A_440 : i32
      %jit3A_442 = arith.constant 512 : i32
      %jit3A_443 = arith.constant 384 : i32
      %select_n3A_444 = arith.select %lt3A_441, %jit3A_442, %jit3A_443 : i32
      %multiple_of3A_445 = tpu.assume_multiple %select_n3A_444, 8 : i32
      %dma_start3A_446 = arith.constant 0 : i32
      %dma_start3A_447 = tpu.memref_slice %arg9[%multiple_of3A_445, %dma_start3A_446] : memref<640x128xf32, #tpu.memory_space<vmem>> -> memref<128x128xf32, #tpu.memory_space<vmem>>
      %dma_start3A_448 = arith.constant 0 : i32
      %dma_start3A_449 = tpu.memref_slice %arg4[%add3A_433, %dma_start3A_448] : memref<823296x128xf32, #tpu.memory_space<hbm>> -> memref<128x128xf32, #tpu.memory_space<hbm>>
      %dma_start3A_450 = arith.constant 0 : i32
      %dma_start3A_451 = tpu.memref_slice %arg4[%add3A_433, %dma_start3A_450] : memref<823296x128xf32, #tpu.memory_space<hbm>> -> memref<128x128xf32, #tpu.memory_space<hbm>>
      %dma_start3A_452 = arith.constant 0 : i32
      %dma_start3A_453 = tpu.memref_slice %arg9[%multiple_of3A_445, %dma_start3A_452] : memref<640x128xf32, #tpu.memory_space<vmem>> -> memref<128x128xf32, #tpu.memory_space<vmem>>
      tpu.enqueue_dma source(%dma_start3A_453 : memref<128x128xf32, #tpu.memory_space<vmem>>) target(%dma_start3A_451 : memref<128x128xf32, #tpu.memory_space<hbm>>) target_semaphore(%arg17 : memref<!tpu.dma_semaphore, #tpu.memory_space<semaphore_mem>>)
      %add3A_454 = arith.constant 4 : i32
      %add3A_455 = arith.addi %add3A_430, %add3A_454 : i32
      %mul3A_456 = arith.constant 128 : i32
      %mul3A_457 = arith.muli %add3A_455, %mul3A_456 : i32
      %add3A_458 = arith.addi %mul3A_2, %mul3A_457 : i32
      %sub3A_459 = arith.constant 4096 : i32
      %sub3A_460 = arith.subi %add3A_458, %sub3A_459 : i32
      %max3A_461 = arith.constant 0 : i32
      %max3A_462 = arith.maxsi %sub3A_460, %max3A_461 : i32
      %multiple_of3A_463 = tpu.assume_multiple %max3A_462, 8 : i32
      "tpu.region"() ({
        %run_scoped3A = tpu.sem_alloc : memref<!tpu.dma_semaphore, #tpu.memory_space<semaphore_mem>>
        %dma_start3A_478 = tpu.memref_slice %arg2[%multiple_of3A_463] : memref<819200xi32, #tpu.memory_space<hbm>> -> memref<128xi32, #tpu.memory_space<hbm>>
        %dma_start3A_479 = tpu.memref_slice %arg2[%multiple_of3A_463] : memref<819200xi32, #tpu.memory_space<hbm>> -> memref<128xi32, #tpu.memory_space<hbm>>
        tpu.enqueue_dma source(%dma_start3A_479 : memref<128xi32, #tpu.memory_space<hbm>>) target(%arg8 : memref<128xi32, #tpu.memory_space<vmem>>) target_semaphore(%run_scoped3A : memref<!tpu.dma_semaphore, #tpu.memory_space<semaphore_mem>>)
        %dma_wait3A_480 = tpu.memref_slice %arg2[%multiple_of3A_463] : memref<819200xi32, #tpu.memory_space<hbm>> -> memref<128xi32, #tpu.memory_space<hbm>>
        %dma_wait3A_481 = tpu.memref_slice %arg2[%multiple_of3A_463] : memref<819200xi32, #tpu.memory_space<hbm>> -> memref<128xi32, #tpu.memory_space<hbm>>
        tpu.wait_dma2 semaphore(%run_scoped3A : memref<!tpu.dma_semaphore, #tpu.memory_space<semaphore_mem>>) src(%dma_wait3A_481 : memref<128xi32, #tpu.memory_space<hbm>>) dst(%arg8 : memref<128xi32, #tpu.memory_space<vmem>>)
        tpu.yield
      }) : () -> ()
      %dma_wait3A_464 = arith.constant 0 : i32
      %dma_wait3A_465 = tpu.memref_slice %arg9[%multiple_of3A_445, %dma_wait3A_464] : memref<640x128xf32, #tpu.memory_space<vmem>> -> memref<128x128xf32, #tpu.memory_space<vmem>>
      %dma_wait3A_466 = arith.constant 0 : i32
      %dma_wait3A_467 = tpu.memref_slice %arg4[%add3A_433, %dma_wait3A_466] : memref<823296x128xf32, #tpu.memory_space<hbm>> -> memref<128x128xf32, #tpu.memory_space<hbm>>
      %dma_wait3A_468 = arith.constant 0 : i32
      %dma_wait3A_469 = tpu.memref_slice %arg4[%add3A_433, %dma_wait3A_468] : memref<823296x128xf32, #tpu.memory_space<hbm>> -> memref<128x128xf32, #tpu.memory_space<hbm>>
      %dma_wait3A_470 = arith.constant 0 : i32
      %dma_wait3A_471 = tpu.memref_slice %arg9[%multiple_of3A_445, %dma_wait3A_470] : memref<640x128xf32, #tpu.memory_space<vmem>> -> memref<128x128xf32, #tpu.memory_space<vmem>>
      tpu.wait_dma2 semaphore(%arg17 : memref<!tpu.dma_semaphore, #tpu.memory_space<semaphore_mem>>) src(%dma_wait3A_471 : memref<128x128xf32, #tpu.memory_space<vmem>>) dst(%dma_wait3A_469 : memref<128x128xf32, #tpu.memory_space<hbm>>)
      %dma_start3A_472 = arith.constant 384 : i32
      %dma_start3A_473 = arith.constant 0 : i32
      %dma_start3A_474 = tpu.memref_slice %arg9[%dma_start3A_472, %dma_start3A_473] : memref<640x128xf32, #tpu.memory_space<vmem>> -> memref<128x128xf32, #tpu.memory_space<vmem>>
      %dma_start3A_475 = arith.constant 0 : i32
      %dma_start3A_476 = arith.constant 0 : i32
      %dma_start3A_477 = tpu.memref_slice %arg3[%dma_start3A_475, %dma_start3A_476] : memref<1000000x128xf32, #tpu.memory_space<hbm>> -> memref<1000000x128xf32, #tpu.memory_space<hbm>>
      tpu.enqueue_indirect_dma source(%dma_start3A_477 : memref<1000000x128xf32, #tpu.memory_space<hbm>>) target(%dma_start3A_474 : memref<128x128xf32, #tpu.memory_space<vmem>>) offsets(%arg8 : memref<128xi32, #tpu.memory_space<vmem>>) semaphore(%arg13 : memref<!tpu.dma_semaphore, #tpu.memory_space<semaphore_mem>>)
    }
    %scan3A_98 = arith.constant 49 : i32
    %mul3A_99 = arith.constant 196 : i32
    %mul3A_100 = arith.constant 128 : i32
    %mul3A_101 = arith.muli %mul3A_99, %mul3A_100 : i32
    %add3A_102 = arith.addi %mul3A_2, %mul3A_101 : i32
    %dma_wait3A_103 = arith.constant 0 : i32
    %dma_wait3A_104 = arith.constant 0 : i32
    %dma_wait3A_105 = tpu.memref_slice %arg9[%dma_wait3A_103, %dma_wait3A_104] : memref<640x128xf32, #tpu.memory_space<vmem>> -> memref<128x128xf32, #tpu.memory_space<vmem>>
    %dma_wait3A_106 = arith.constant 0 : i32
    %dma_wait3A_107 = arith.constant 0 : i32
    %dma_wait3A_108 = tpu.memref_slice %arg3[%dma_wait3A_106, %dma_wait3A_107] : memref<1000000x128xf32, #tpu.memory_space<hbm>> -> memref<1000000x128xf32, #tpu.memory_space<hbm>>
    tpu.wait_indirect_dma semaphore(%arg10 : memref<!tpu.dma_semaphore, #tpu.memory_space<semaphore_mem>>) src(%dma_wait3A_108 : memref<1000000x128xf32, #tpu.memory_space<hbm>>) dst(%dma_wait3A_105 : memref<128x128xf32, #tpu.memory_space<vmem>>)
    %lt3A = arith.constant 4096 : i32
    %lt3A_109 = arith.cmpi slt, %add3A_102, %lt3A : i32
    %jit3A = arith.constant 512 : i32
    %jit3A_110 = arith.constant 0 : i32
    %select_n3A = arith.select %lt3A_109, %jit3A, %jit3A_110 : i32
    %multiple_of3A_111 = tpu.assume_multiple %select_n3A, 8 : i32
    %dma_start3A_112 = arith.constant 0 : i32
    %dma_start3A_113 = tpu.memref_slice %arg9[%multiple_of3A_111, %dma_start3A_112] : memref<640x128xf32, #tpu.memory_space<vmem>> -> memref<128x128xf32, #tpu.memory_space<vmem>>
    %dma_start3A_114 = arith.constant 0 : i32
    %dma_start3A_115 = tpu.memref_slice %arg4[%add3A_102, %dma_start3A_114] : memref<823296x128xf32, #tpu.memory_space<hbm>> -> memref<128x128xf32, #tpu.memory_space<hbm>>
    %dma_start3A_116 = arith.constant 0 : i32
    %dma_start3A_117 = tpu.memref_slice %arg4[%add3A_102, %dma_start3A_116] : memref<823296x128xf32, #tpu.memory_space<hbm>> -> memref<128x128xf32, #tpu.memory_space<hbm>>
    %dma_start3A_118 = arith.constant 0 : i32
    %dma_start3A_119 = tpu.memref_slice %arg9[%multiple_of3A_111, %dma_start3A_118] : memref<640x128xf32, #tpu.memory_space<vmem>> -> memref<128x128xf32, #tpu.memory_space<vmem>>
    tpu.enqueue_dma source(%dma_start3A_119 : memref<128x128xf32, #tpu.memory_space<vmem>>) target(%dma_start3A_117 : memref<128x128xf32, #tpu.memory_space<hbm>>) target_semaphore(%arg14 : memref<!tpu.dma_semaphore, #tpu.memory_space<semaphore_mem>>)
    %add3A_120 = arith.constant 196 : i32
    %add3A_121 = arith.constant 4 : i32
    %add3A_122 = arith.addi %add3A_120, %add3A_121 : i32
    %mul3A_123 = arith.constant 128 : i32
    %mul3A_124 = arith.muli %add3A_122, %mul3A_123 : i32
    %add3A_125 = arith.addi %mul3A_2, %mul3A_124 : i32
    %sub3A_126 = arith.constant 4096 : i32
    %sub3A_127 = arith.subi %add3A_125, %sub3A_126 : i32
    %max3A_128 = arith.constant 0 : i32
    %max3A_129 = arith.maxsi %sub3A_127, %max3A_128 : i32
    %multiple_of3A_130 = tpu.assume_multiple %max3A_129, 8 : i32
    "tpu.region"() ({
      %run_scoped3A = tpu.sem_alloc : memref<!tpu.dma_semaphore, #tpu.memory_space<semaphore_mem>>
      %dma_start3A_273 = tpu.memref_slice %arg2[%multiple_of3A_130] : memref<819200xi32, #tpu.memory_space<hbm>> -> memref<128xi32, #tpu.memory_space<hbm>>
      %dma_start3A_274 = tpu.memref_slice %arg2[%multiple_of3A_130] : memref<819200xi32, #tpu.memory_space<hbm>> -> memref<128xi32, #tpu.memory_space<hbm>>
      tpu.enqueue_dma source(%dma_start3A_274 : memref<128xi32, #tpu.memory_space<hbm>>) target(%arg5 : memref<128xi32, #tpu.memory_space<vmem>>) target_semaphore(%run_scoped3A : memref<!tpu.dma_semaphore, #tpu.memory_space<semaphore_mem>>)
      %dma_wait3A_275 = tpu.memref_slice %arg2[%multiple_of3A_130] : memref<819200xi32, #tpu.memory_space<hbm>> -> memref<128xi32, #tpu.memory_space<hbm>>
      %dma_wait3A_276 = tpu.memref_slice %arg2[%multiple_of3A_130] : memref<819200xi32, #tpu.memory_space<hbm>> -> memref<128xi32, #tpu.memory_space<hbm>>
      tpu.wait_dma2 semaphore(%run_scoped3A : memref<!tpu.dma_semaphore, #tpu.memory_space<semaphore_mem>>) src(%dma_wait3A_276 : memref<128xi32, #tpu.memory_space<hbm>>) dst(%arg5 : memref<128xi32, #tpu.memory_space<vmem>>)
      tpu.yield
    }) : () -> ()
    %dma_wait3A_131 = arith.constant 0 : i32
    %dma_wait3A_132 = tpu.memref_slice %arg9[%multiple_of3A_111, %dma_wait3A_131] : memref<640x128xf32, #tpu.memory_space<vmem>> -> memref<128x128xf32, #tpu.memory_space<vmem>>
    %dma_wait3A_133 = arith.constant 0 : i32
    %dma_wait3A_134 = tpu.memref_slice %arg4[%add3A_102, %dma_wait3A_133] : memref<823296x128xf32, #tpu.memory_space<hbm>> -> memref<128x128xf32, #tpu.memory_space<hbm>>
    %dma_wait3A_135 = arith.constant 0 : i32
    %dma_wait3A_136 = tpu.memref_slice %arg4[%add3A_102, %dma_wait3A_135] : memref<823296x128xf32, #tpu.memory_space<hbm>> -> memref<128x128xf32, #tpu.memory_space<hbm>>
    %dma_wait3A_137 = arith.constant 0 : i32
    %dma_wait3A_138 = tpu.memref_slice %arg9[%multiple_of3A_111, %dma_wait3A_137] : memref<640x128xf32, #tpu.memory_space<vmem>> -> memref<128x128xf32, #tpu.memory_space<vmem>>
    tpu.wait_dma2 semaphore(%arg14 : memref<!tpu.dma_semaphore, #tpu.memory_space<semaphore_mem>>) src(%dma_wait3A_138 : memref<128x128xf32, #tpu.memory_space<vmem>>) dst(%dma_wait3A_136 : memref<128x128xf32, #tpu.memory_space<hbm>>)
    %dma_start3A_139 = arith.constant 0 : i32
    %dma_start3A_140 = arith.constant 0 : i32
    %dma_start3A_141 = tpu.memref_slice %arg9[%dma_start3A_139, %dma_start3A_140] : memref<640x128xf32, #tpu.memory_space<vmem>> -> memref<128x128xf32, #tpu.memory_space<vmem>>
    %dma_start3A_142 = arith.constant 0 : i32
    %dma_start3A_143 = arith.constant 0 : i32
    %dma_start3A_144 = tpu.memref_slice %arg3[%dma_start3A_142, %dma_start3A_143] : memref<1000000x128xf32, #tpu.memory_space<hbm>> -> memref<1000000x128xf32, #tpu.memory_space<hbm>>
    tpu.enqueue_indirect_dma source(%dma_start3A_144 : memref<1000000x128xf32, #tpu.memory_space<hbm>>) target(%dma_start3A_141 : memref<128x128xf32, #tpu.memory_space<vmem>>) offsets(%arg5 : memref<128xi32, #tpu.memory_space<vmem>>) semaphore(%arg10 : memref<!tpu.dma_semaphore, #tpu.memory_space<semaphore_mem>>)
    %mul3A_145 = arith.constant 197 : i32
    %mul3A_146 = arith.constant 128 : i32
    %mul3A_147 = arith.muli %mul3A_145, %mul3A_146 : i32
    %add3A_148 = arith.addi %mul3A_2, %mul3A_147 : i32
    %dma_wait3A_149 = arith.constant 128 : i32
    %dma_wait3A_150 = arith.constant 0 : i32
    %dma_wait3A_151 = tpu.memref_slice %arg9[%dma_wait3A_149, %dma_wait3A_150] : memref<640x128xf32, #tpu.memory_space<vmem>> -> memref<128x128xf32, #tpu.memory_space<vmem>>
    %dma_wait3A_152 = arith.constant 0 : i32
    %dma_wait3A_153 = arith.constant 0 : i32
    %dma_wait3A_154 = tpu.memref_slice %arg3[%dma_wait3A_152, %dma_wait3A_153] : memref<1000000x128xf32, #tpu.memory_space<hbm>> -> memref<1000000x128xf32, #tpu.memory_space<hbm>>
    tpu.wait_indirect_dma semaphore(%arg11 : memref<!tpu.dma_semaphore, #tpu.memory_space<semaphore_mem>>) src(%dma_wait3A_154 : memref<1000000x128xf32, #tpu.memory_space<hbm>>) dst(%dma_wait3A_151 : memref<128x128xf32, #tpu.memory_space<vmem>>)
    %lt3A_155 = arith.constant 4096 : i32
    %lt3A_156 = arith.cmpi slt, %add3A_148, %lt3A_155 : i32
    %jit3A_157 = arith.constant 512 : i32
    %jit3A_158 = arith.constant 128 : i32
    %select_n3A_159 = arith.select %lt3A_156, %jit3A_157, %jit3A_158 : i32
    %multiple_of3A_160 = tpu.assume_multiple %select_n3A_159, 8 : i32
    %dma_start3A_161 = arith.constant 0 : i32
    %dma_start3A_162 = tpu.memref_slice %arg9[%multiple_of3A_160, %dma_start3A_161] : memref<640x128xf32, #tpu.memory_space<vmem>> -> memref<128x128xf32, #tpu.memory_space<vmem>>
    %dma_start3A_163 = arith.constant 0 : i32
    %dma_start3A_164 = tpu.memref_slice %arg4[%add3A_148, %dma_start3A_163] : memref<823296x128xf32, #tpu.memory_space<hbm>> -> memref<128x128xf32, #tpu.memory_space<hbm>>
    %dma_start3A_165 = arith.constant 0 : i32
    %dma_start3A_166 = tpu.memref_slice %arg4[%add3A_148, %dma_start3A_165] : memref<823296x128xf32, #tpu.memory_space<hbm>> -> memref<128x128xf32, #tpu.memory_space<hbm>>
    %dma_start3A_167 = arith.constant 0 : i32
    %dma_start3A_168 = tpu.memref_slice %arg9[%multiple_of3A_160, %dma_start3A_167] : memref<640x128xf32, #tpu.memory_space<vmem>> -> memref<128x128xf32, #tpu.memory_space<vmem>>
    tpu.enqueue_dma source(%dma_start3A_168 : memref<128x128xf32, #tpu.memory_space<vmem>>) target(%dma_start3A_166 : memref<128x128xf32, #tpu.memory_space<hbm>>) target_semaphore(%arg15 : memref<!tpu.dma_semaphore, #tpu.memory_space<semaphore_mem>>)
    %dma_wait3A_169 = arith.constant 0 : i32
    %dma_wait3A_170 = tpu.memref_slice %arg9[%multiple_of3A_160, %dma_wait3A_169] : memref<640x128xf32, #tpu.memory_space<vmem>> -> memref<128x128xf32, #tpu.memory_space<vmem>>
    %dma_wait3A_171 = arith.constant 0 : i32
    %dma_wait3A_172 = tpu.memref_slice %arg4[%add3A_148, %dma_wait3A_171] : memref<823296x128xf32, #tpu.memory_space<hbm>> -> memref<128x128xf32, #tpu.memory_space<hbm>>
    %dma_wait3A_173 = arith.constant 0 : i32
    %dma_wait3A_174 = tpu.memref_slice %arg4[%add3A_148, %dma_wait3A_173] : memref<823296x128xf32, #tpu.memory_space<hbm>> -> memref<128x128xf32, #tpu.memory_space<hbm>>
    %dma_wait3A_175 = arith.constant 0 : i32
    %dma_wait3A_176 = tpu.memref_slice %arg9[%multiple_of3A_160, %dma_wait3A_175] : memref<640x128xf32, #tpu.memory_space<vmem>> -> memref<128x128xf32, #tpu.memory_space<vmem>>
    tpu.wait_dma2 semaphore(%arg15 : memref<!tpu.dma_semaphore, #tpu.memory_space<semaphore_mem>>) src(%dma_wait3A_176 : memref<128x128xf32, #tpu.memory_space<vmem>>) dst(%dma_wait3A_174 : memref<128x128xf32, #tpu.memory_space<hbm>>)
    %mul3A_177 = arith.constant 198 : i32
    %mul3A_178 = arith.constant 128 : i32
    %mul3A_179 = arith.muli %mul3A_177, %mul3A_178 : i32
    %add3A_180 = arith.addi %mul3A_2, %mul3A_179 : i32
    %dma_wait3A_181 = arith.constant 256 : i32
    %dma_wait3A_182 = arith.constant 0 : i32
    %dma_wait3A_183 = tpu.memref_slice %arg9[%dma_wait3A_181, %dma_wait3A_182] : memref<640x128xf32, #tpu.memory_space<vmem>> -> memref<128x128xf32, #tpu.memory_space<vmem>>
    %dma_wait3A_184 = arith.constant 0 : i32
    %dma_wait3A_185 = arith.constant 0 : i32
    %dma_wait3A_186 = tpu.memref_slice %arg3[%dma_wait3A_184, %dma_wait3A_185] : memref<1000000x128xf32, #tpu.memory_space<hbm>> -> memref<1000000x128xf32, #tpu.memory_space<hbm>>
    tpu.wait_indirect_dma semaphore(%arg12 : memref<!tpu.dma_semaphore, #tpu.memory_space<semaphore_mem>>) src(%dma_wait3A_186 : memref<1000000x128xf32, #tpu.memory_space<hbm>>) dst(%dma_wait3A_183 : memref<128x128xf32, #tpu.memory_space<vmem>>)
    %lt3A_187 = arith.constant 4096 : i32
    %lt3A_188 = arith.cmpi slt, %add3A_180, %lt3A_187 : i32
    %jit3A_189 = arith.constant 512 : i32
    %jit3A_190 = arith.constant 256 : i32
    %select_n3A_191 = arith.select %lt3A_188, %jit3A_189, %jit3A_190 : i32
    %multiple_of3A_192 = tpu.assume_multiple %select_n3A_191, 8 : i32
    %dma_start3A_193 = arith.constant 0 : i32
    %dma_start3A_194 = tpu.memref_slice %arg9[%multiple_of3A_192, %dma_start3A_193] : memref<640x128xf32, #tpu.memory_space<vmem>> -> memref<128x128xf32, #tpu.memory_space<vmem>>
    %dma_start3A_195 = arith.constant 0 : i32
    %dma_start3A_196 = tpu.memref_slice %arg4[%add3A_180, %dma_start3A_195] : memref<823296x128xf32, #tpu.memory_space<hbm>> -> memref<128x128xf32, #tpu.memory_space<hbm>>
    %dma_start3A_197 = arith.constant 0 : i32
    %dma_start3A_198 = tpu.memref_slice %arg4[%add3A_180, %dma_start3A_197] : memref<823296x128xf32, #tpu.memory_space<hbm>> -> memref<128x128xf32, #tpu.memory_space<hbm>>
    %dma_start3A_199 = arith.constant 0 : i32
    %dma_start3A_200 = tpu.memref_slice %arg9[%multiple_of3A_192, %dma_start3A_199] : memref<640x128xf32, #tpu.memory_space<vmem>> -> memref<128x128xf32, #tpu.memory_space<vmem>>
    tpu.enqueue_dma source(%dma_start3A_200 : memref<128x128xf32, #tpu.memory_space<vmem>>) target(%dma_start3A_198 : memref<128x128xf32, #tpu.memory_space<hbm>>) target_semaphore(%arg16 : memref<!tpu.dma_semaphore, #tpu.memory_space<semaphore_mem>>)
    %dma_wait3A_201 = arith.constant 0 : i32
    %dma_wait3A_202 = tpu.memref_slice %arg9[%multiple_of3A_192, %dma_wait3A_201] : memref<640x128xf32, #tpu.memory_space<vmem>> -> memref<128x128xf32, #tpu.memory_space<vmem>>
    %dma_wait3A_203 = arith.constant 0 : i32
    %dma_wait3A_204 = tpu.memref_slice %arg4[%add3A_180, %dma_wait3A_203] : memref<823296x128xf32, #tpu.memory_space<hbm>> -> memref<128x128xf32, #tpu.memory_space<hbm>>
    %dma_wait3A_205 = arith.constant 0 : i32
    %dma_wait3A_206 = tpu.memref_slice %arg4[%add3A_180, %dma_wait3A_205] : memref<823296x128xf32, #tpu.memory_space<hbm>> -> memref<128x128xf32, #tpu.memory_space<hbm>>
    %dma_wait3A_207 = arith.constant 0 : i32
    %dma_wait3A_208 = tpu.memref_slice %arg9[%multiple_of3A_192, %dma_wait3A_207] : memref<640x128xf32, #tpu.memory_space<vmem>> -> memref<128x128xf32, #tpu.memory_space<vmem>>
    tpu.wait_dma2 semaphore(%arg16 : memref<!tpu.dma_semaphore, #tpu.memory_space<semaphore_mem>>) src(%dma_wait3A_208 : memref<128x128xf32, #tpu.memory_space<vmem>>) dst(%dma_wait3A_206 : memref<128x128xf32, #tpu.memory_space<hbm>>)
    %mul3A_209 = arith.constant 199 : i32
    %mul3A_210 = arith.constant 128 : i32
    %mul3A_211 = arith.muli %mul3A_209, %mul3A_210 : i32
    %add3A_212 = arith.addi %mul3A_2, %mul3A_211 : i32
    %dma_wait3A_213 = arith.constant 384 : i32
    %dma_wait3A_214 = arith.constant 0 : i32
    %dma_wait3A_215 = tpu.memref_slice %arg9[%dma_wait3A_213, %dma_wait3A_214] : memref<640x128xf32, #tpu.memory_space<vmem>> -> memref<128x128xf32, #tpu.memory_space<vmem>>
    %dma_wait3A_216 = arith.constant 0 : i32
    %dma_wait3A_217 = arith.constant 0 : i32
    %dma_wait3A_218 = tpu.memref_slice %arg3[%dma_wait3A_216, %dma_wait3A_217] : memref<1000000x128xf32, #tpu.memory_space<hbm>> -> memref<1000000x128xf32, #tpu.memory_space<hbm>>
    tpu.wait_indirect_dma semaphore(%arg13 : memref<!tpu.dma_semaphore, #tpu.memory_space<semaphore_mem>>) src(%dma_wait3A_218 : memref<1000000x128xf32, #tpu.memory_space<hbm>>) dst(%dma_wait3A_215 : memref<128x128xf32, #tpu.memory_space<vmem>>)
    %lt3A_219 = arith.constant 4096 : i32
    %lt3A_220 = arith.cmpi slt, %add3A_212, %lt3A_219 : i32
    %jit3A_221 = arith.constant 512 : i32
    %jit3A_222 = arith.constant 384 : i32
    %select_n3A_223 = arith.select %lt3A_220, %jit3A_221, %jit3A_222 : i32
    %multiple_of3A_224 = tpu.assume_multiple %select_n3A_223, 8 : i32
    %dma_start3A_225 = arith.constant 0 : i32
    %dma_start3A_226 = tpu.memref_slice %arg9[%multiple_of3A_224, %dma_start3A_225] : memref<640x128xf32, #tpu.memory_space<vmem>> -> memref<128x128xf32, #tpu.memory_space<vmem>>
    %dma_start3A_227 = arith.constant 0 : i32
    %dma_start3A_228 = tpu.memref_slice %arg4[%add3A_212, %dma_start3A_227] : memref<823296x128xf32, #tpu.memory_space<hbm>> -> memref<128x128xf32, #tpu.memory_space<hbm>>
    %dma_start3A_229 = arith.constant 0 : i32
    %dma_start3A_230 = tpu.memref_slice %arg4[%add3A_212, %dma_start3A_229] : memref<823296x128xf32, #tpu.memory_space<hbm>> -> memref<128x128xf32, #tpu.memory_space<hbm>>
    %dma_start3A_231 = arith.constant 0 : i32
    %dma_start3A_232 = tpu.memref_slice %arg9[%multiple_of3A_224, %dma_start3A_231] : memref<640x128xf32, #tpu.memory_space<vmem>> -> memref<128x128xf32, #tpu.memory_space<vmem>>
    tpu.enqueue_dma source(%dma_start3A_232 : memref<128x128xf32, #tpu.memory_space<vmem>>) target(%dma_start3A_230 : memref<128x128xf32, #tpu.memory_space<hbm>>) target_semaphore(%arg17 : memref<!tpu.dma_semaphore, #tpu.memory_space<semaphore_mem>>)
    %dma_wait3A_233 = arith.constant 0 : i32
    %dma_wait3A_234 = tpu.memref_slice %arg9[%multiple_of3A_224, %dma_wait3A_233] : memref<640x128xf32, #tpu.memory_space<vmem>> -> memref<128x128xf32, #tpu.memory_space<vmem>>
    %dma_wait3A_235 = arith.constant 0 : i32
    %dma_wait3A_236 = tpu.memref_slice %arg4[%add3A_212, %dma_wait3A_235] : memref<823296x128xf32, #tpu.memory_space<hbm>> -> memref<128x128xf32, #tpu.memory_space<hbm>>
    %dma_wait3A_237 = arith.constant 0 : i32
    %dma_wait3A_238 = tpu.memref_slice %arg4[%add3A_212, %dma_wait3A_237] : memref<823296x128xf32, #tpu.memory_space<hbm>> -> memref<128x128xf32, #tpu.memory_space<hbm>>
    %dma_wait3A_239 = arith.constant 0 : i32
    %dma_wait3A_240 = tpu.memref_slice %arg9[%multiple_of3A_224, %dma_wait3A_239] : memref<640x128xf32, #tpu.memory_space<vmem>> -> memref<128x128xf32, #tpu.memory_space<vmem>>
    tpu.wait_dma2 semaphore(%arg17 : memref<!tpu.dma_semaphore, #tpu.memory_space<semaphore_mem>>) src(%dma_wait3A_240 : memref<128x128xf32, #tpu.memory_space<vmem>>) dst(%dma_wait3A_238 : memref<128x128xf32, #tpu.memory_space<hbm>>)
    %mul3A_241 = arith.constant 200 : i32
    %mul3A_242 = arith.constant 128 : i32
    %mul3A_243 = arith.muli %mul3A_241, %mul3A_242 : i32
    %add3A_244 = arith.addi %mul3A_2, %mul3A_243 : i32
    %dma_wait3A_245 = arith.constant 0 : i32
    %dma_wait3A_246 = arith.constant 0 : i32
    %dma_wait3A_247 = tpu.memref_slice %arg9[%dma_wait3A_245, %dma_wait3A_246] : memref<640x128xf32, #tpu.memory_space<vmem>> -> memref<128x128xf32, #tpu.memory_space<vmem>>
    %dma_wait3A_248 = arith.constant 0 : i32
    %dma_wait3A_249 = arith.constant 0 : i32
    %dma_wait3A_250 = tpu.memref_slice %arg3[%dma_wait3A_248, %dma_wait3A_249] : memref<1000000x128xf32, #tpu.memory_space<hbm>> -> memref<1000000x128xf32, #tpu.memory_space<hbm>>
    tpu.wait_indirect_dma semaphore(%arg10 : memref<!tpu.dma_semaphore, #tpu.memory_space<semaphore_mem>>) src(%dma_wait3A_250 : memref<1000000x128xf32, #tpu.memory_space<hbm>>) dst(%dma_wait3A_247 : memref<128x128xf32, #tpu.memory_space<vmem>>)
    %lt3A_251 = arith.constant 4096 : i32
    %lt3A_252 = arith.cmpi slt, %add3A_244, %lt3A_251 : i32
    %jit3A_253 = arith.constant 512 : i32
    %jit3A_254 = arith.constant 0 : i32
    %select_n3A_255 = arith.select %lt3A_252, %jit3A_253, %jit3A_254 : i32
    %multiple_of3A_256 = tpu.assume_multiple %select_n3A_255, 8 : i32
    %dma_start3A_257 = arith.constant 0 : i32
    %dma_start3A_258 = tpu.memref_slice %arg9[%multiple_of3A_256, %dma_start3A_257] : memref<640x128xf32, #tpu.memory_space<vmem>> -> memref<128x128xf32, #tpu.memory_space<vmem>>
    %dma_start3A_259 = arith.constant 0 : i32
    %dma_start3A_260 = tpu.memref_slice %arg4[%add3A_244, %dma_start3A_259] : memref<823296x128xf32, #tpu.memory_space<hbm>> -> memref<128x128xf32, #tpu.memory_space<hbm>>
    %dma_start3A_261 = arith.constant 0 : i32
    %dma_start3A_262 = tpu.memref_slice %arg4[%add3A_244, %dma_start3A_261] : memref<823296x128xf32, #tpu.memory_space<hbm>> -> memref<128x128xf32, #tpu.memory_space<hbm>>
    %dma_start3A_263 = arith.constant 0 : i32
    %dma_start3A_264 = tpu.memref_slice %arg9[%multiple_of3A_256, %dma_start3A_263] : memref<640x128xf32, #tpu.memory_space<vmem>> -> memref<128x128xf32, #tpu.memory_space<vmem>>
    tpu.enqueue_dma source(%dma_start3A_264 : memref<128x128xf32, #tpu.memory_space<vmem>>) target(%dma_start3A_262 : memref<128x128xf32, #tpu.memory_space<hbm>>) target_semaphore(%arg14 : memref<!tpu.dma_semaphore, #tpu.memory_space<semaphore_mem>>)
    %dma_wait3A_265 = arith.constant 0 : i32
    %dma_wait3A_266 = tpu.memref_slice %arg9[%multiple_of3A_256, %dma_wait3A_265] : memref<640x128xf32, #tpu.memory_space<vmem>> -> memref<128x128xf32, #tpu.memory_space<vmem>>
    %dma_wait3A_267 = arith.constant 0 : i32
    %dma_wait3A_268 = tpu.memref_slice %arg4[%add3A_244, %dma_wait3A_267] : memref<823296x128xf32, #tpu.memory_space<hbm>> -> memref<128x128xf32, #tpu.memory_space<hbm>>
    %dma_wait3A_269 = arith.constant 0 : i32
    %dma_wait3A_270 = tpu.memref_slice %arg4[%add3A_244, %dma_wait3A_269] : memref<823296x128xf32, #tpu.memory_space<hbm>> -> memref<128x128xf32, #tpu.memory_space<hbm>>
    %dma_wait3A_271 = arith.constant 0 : i32
    %dma_wait3A_272 = tpu.memref_slice %arg9[%multiple_of3A_256, %dma_wait3A_271] : memref<640x128xf32, #tpu.memory_space<vmem>> -> memref<128x128xf32, #tpu.memory_space<vmem>>
    tpu.wait_dma2 semaphore(%arg14 : memref<!tpu.dma_semaphore, #tpu.memory_space<semaphore_mem>>) src(%dma_wait3A_272 : memref<128x128xf32, #tpu.memory_space<vmem>>) dst(%dma_wait3A_270 : memref<128x128xf32, #tpu.memory_space<hbm>>)
    return
  }
}

</mosaic_0001>

<sc_bundles>
// kernel: kernel.3.cloned.1.call-start
scs
__scs_entry_jumppad:
0x0: {  	(pc) =	sbr.rel $0x88, $3  }
0x1: {  	(tag) =	ssettag $0x0;
	lr =	simm.s32 $0x1  }
0x2: {  	[smem:$0x3F9F] =	sst lr;
	_ =	strace $0xD0000000  }
0x3: {  	_ = 	snop  }
0x4: {  	_ = 	snop  }
0x5: {  	_ = 	snop  }
0x6: {  	_ = 	snop  }
0x7: {  	_ = 	snop  }
__scs_overlays_trampoline_lowered:
0x8: {  	[smem:$0x3FAE] =	sst s0  }
0x9: {  	[smem:$0x3FAF] =	sst s1  }
0xa: {  	[smem:$0x3FB0] =	sst s2  }
0xb: {  	[smem:$0x3FB1] =	sst s3  }
0xc: {  	[smem:$0x3FB2] =	sst s4  }
0xd: {  	[smem:$0x3FB3] =	sst s5  }
0xe: {  	[smem:$0x3FB4] =	sst s6  }
0xf: {  	[smem:$0x3FB5] =	sst s7  }
0x10: {  	[smem:$0x3FB6] =	sst s8  }
0x11: {  	[smem:$0x3FB7] =	sst s9;
	s0 =	simm.s32 @!p0 $0x0  }
0x12: {  	s1 =	sld [smem:$0x3F9D];
	s0 =	simm.s32 @p0 $0x1  }
0x13: {  	[smem:$0x3FB8] =	sst s0;
	s0 =	simm.s32 @!p1 $0x0  }
0x14: {  	s2 =	sld [smem:$0x3F9C];
	s0 =	simm.s32 @p1 $0x1  }
0x15: {  	[smem:$0x3FB9] =	sst s0;
	s0 =	simm.s32 @!p2 $0x0  }
0x16: {  	s3 =	sld [smem:$0x3FDB];
	s0 =	simm.s32 @p2 $0x1  }
0x17: {  	s4 =	simm.s32 $0x1BF5;
	[smem:$0x3FBB] =	sst s0  }
0x18: {  	s0 =	sld [smem:$0x3F9E];
	_ =	swait.ge [sflag:s4], $0x0  }
0x19: {  	s7 =	sld [smem:$0x3F9F]  }
0x1a: {  	s8 =	sadd.s32 $0xFFFFE003, lr  }
0x1b: {  	s9 =	sadd.s32 $0xFFFFFEF7, lr;
	s5 =	simm.s32 $0xFFFFFFFF;
	p2 =	slt.u32 s8, $0xFFFFF086  }
0x1c: {  	p1 =	slt.u32 s9, $0xF7A;
	s5 =	simm.s32 @!p2 $0x0  }
0x1d: {  	s5 =	simm.s32 @p1 $0x1;
	p0 =	seq.s32 s7, s2  }
0x1e: {  	s7 =	smul.u32 @!p0 $0xF7A, s2;
	p2 =	seq.s32 @!p0 s5, $0x0  }
0x1f: {  	s9 =	smul.u32 $0xF7A, s1;
	s8 =	simm.s32 @!p0 $0x1BF5;
	p2 =	por !p2, p0  }
0x20: {  	[sflag:s8] =	ssyncset.s32 @!p0 $0xFFFFF086;
	s6 =	sadd.s32 @!p0 s3, s7;
	s7 =	simm.s32 @!p0 $0x108  }
0x21: {  	s3 =	sadd.s32 s3, s9;
	s6 =	sadd.s32 @!p0 $0x88, s6;
	s7 =	simm.s32 @p2 $0x1082  }
0x22: {  	[simem:s7], [sflag:s8] =	dma.local @!p0 [hbm:s6], $0xF7A  }
0x23: {  	s9 =	sor.u32 $0xD0000000, s2;
	s6 =	simm.s32 $0x108;
	_ =	swait.ge @!p0 [sflag:s8], $0x0  }
0x24: {  	s3 =	sadd.s32 $0x88, s3;
	s6 =	simm.s32 @!p1 $0x1082;
	[sflag:s4] =	ssyncset.s32 $0xFFFFF086  }
0x25: {  	[simem:s6], [sflag:s4] =	dma.local [hbm:s3], $0xF7A  }
0x26: {  	[smem:$0x3F9F] =	sst s1;
	(tag) =	ssettag s2;
	_ =	strace s9  }
0x27: {  	s1 =	sld [smem:$0x3FAF]  }
0x28: {  	s2 =	sld [smem:$0x3FB0]  }
0x29: {  	s4 =	sld [smem:$0x3FB2]  }
0x2a: {  	p0 =	seq.s32 s5, $0x0;
	s5 =	sld [smem:$0x3FB3]  }
0x2b: {  	s6 =	sld [smem:$0x3FB4]  }
0x2c: {  	s7 =	sld [smem:$0x3FB5]  }
0x2d: {  	s3 =	simm.s32 $0x108;
	s8 =	sld [smem:$0x3FB6]  }
0x2e: {  	s3 =	simm.s32 @!p0 $0x1082;
	s9 =	sld [smem:$0x3FB7]  }
0x2f: {  	lr =	sadd.s32 s0, s3;
	s0 =	sld [smem:$0x3FAE]  }
0x30: {  	s3 =	sld [smem:$0x3FB1]  }
0x31: {  	[smem:$0x3FBA] =	sst s10  }
0x32: {  	s10 =	sld [smem:$0x3FB8];
	_ =	sdelay $0x3  }
0x33: {  	p0 =	seq.s32 s10, $0x1;
	s10 =	sld [smem:$0x3FBA];
	_ =	sdelay $0x3  }
0x34: {  	[smem:$0x3FBA] =	sst s10  }
0x35: {  	s10 =	sld [smem:$0x3FB9];
	_ =	sdelay $0x3  }
0x36: {  	p1 =	seq.s32 s10, $0x1;
	s10 =	sld [smem:$0x3FBA];
	_ =	sdelay $0x3  }
0x37: {  	[smem:$0x3FBA] =	sst s10  }
0x38: {  	s10 =	sld [smem:$0x3FBB]  }
0x39: {  	_ = 	snop;
	(pc) =	sbr.ind lr, $3  }
0x3a: {  	_ = 	snop  }
0x3b: {  	_ = 	snop  }
0x3c: {  	p2 =	seq.s32 s10, $0x1;
	s10 =	sld [smem:$0x3FBA]  }
0x3d: {  	_ =	shalt  }
0x3e: {  	_ =	shalt  }
0x3f: {  	_ =	shalt  }
0x40: {  	_ =	shalt  }
0x41: {  	_ =	shalt  }
0x42: {  	_ =	shalt  }
0x43: {  	_ =	shalt  }
0x44: {  	_ =	shalt  }
0x45: {  	_ =	shalt  }
0x46: {  	_ =	shalt  }
0x47: {  	_ =	shalt  }
0x48: {  	_ =	shalt  }
0x49: {  	_ =	shalt  }
0x4a: {  	_ =	shalt  }
0x4b: {  	_ =	shalt  }
0x4c: {  	_ =	shalt  }
0x4d: {  	_ =	shalt  }
0x4e: {  	_ =	shalt  }
0x4f: {  	_ =	shalt  }
0x50: {  	_ =	shalt  }
0x51: {  	_ =	shalt  }
0x52: {  	_ =	shalt  }
0x53: {  	_ =	shalt  }
0x54: {  	_ =	shalt  }
0x55: {  	_ =	shalt  }
0x56: {  	_ =	shalt  }
0x57: {  	_ =	shalt  }
0x58: {  	_ =	shalt  }
0x59: {  	_ =	shalt  }
0x5a: {  	_ =	shalt  }
0x5b: {  	_ =	shalt  }
0x5c: {  	_ =	shalt  }
0x5d: {  	_ =	shalt  }
0x5e: {  	_ =	shalt  }
0x5f: {  	_ =	shalt  }
0x60: {  	_ =	shalt  }
0x61: {  	_ =	shalt  }
0x62: {  	_ =	shalt  }
0x63: {  	_ =	shalt  }
0x64: {  	_ =	shalt  }
0x65: {  	_ =	shalt  }
0x66: {  	_ =	shalt  }
0x67: {  	_ =	shalt  }
0x68: {  	_ =	shalt  }
0x69: {  	_ =	shalt  }
0x6a: {  	_ =	shalt  }
0x6b: {  	_ =	shalt  }
0x6c: {  	_ =	shalt  }
0x6d: {  	_ =	shalt  }
0x6e: {  	_ =	shalt  }
0x6f: {  	_ =	shalt  }
0x70: {  	_ =	shalt  }
0x71: {  	_ =	shalt  }
0x72: {  	_ =	shalt  }
0x73: {  	_ =	shalt  }
0x74: {  	_ =	shalt  }
0x75: {  	_ =	shalt  }
0x76: {  	_ =	shalt  }
0x77: {  	_ =	shalt  }
0x78: {  	_ =	shalt  }
0x79: {  	_ =	shalt  }
0x7a: {  	_ =	shalt  }
0x7b: {  	_ =	shalt  }
0x7c: {  	_ =	shalt  }
0x7d: {  	_ =	shalt  }
0x7e: {  	_ =	shalt  }
0x7f: {  	_ =	shalt  }
0x80: {  	_ =	shalt  }
0x81: {  	_ =	shalt  }
0x82: {  	_ =	shalt  }
0x83: {  	_ =	shalt  }
0x84: {  	_ =	shalt  }
0x85: {  	_ =	shalt  }
0x86: {  	_ =	shalt  }
0x87: {  	_ =	shalt  }
.Lfunc_end0:
.L_simem_size_0:
called_computation_lowered:
.L_overlay_start_0:
0x88: {  	s2 =	sld [smem:$0x3FD9]  }
0x89: {  	s3 =	sld [smem:$0x3FFE];
	_ =	sdelay $0x1  }
0x8a: {  	s1 =	srdreg.scid  }
0x8b: {  	s0 =	sand.u32 $0x1, s1  }
0x8c: {  	s17 =	sshll.u32 s0, $0xA;
	s2 =	sadd.s32 s3, s2  }
0x8d: {  	s2 =	sadd.s32 s2, s17  }
0x8e: {  	[smem:$0x3FC6] =	sst s2  }
0x8f: {  	_ = 	snop  }
0x90: {  	s2 =	sld [smem:$0x3FC8]  }
0x91: {  	s18 =	sld [smem:$0x3FD0];
	(tm) =	ssettm $0x1  }
0x92: {  	s4 =	sld [smem:$0x3FFB];
	_ =	sdelay $0x3  }
0x93: {  	_ =	strace s4  }
0x94: {  	s4 =	sld [smem:$0x3FFC];
	_ =	sdelay $0x3  }
0x95: {  	_ =	strace s4  }
0x96: {  	s4 =	sld [smem:$0x3FFD];
	_ =	sdelay $0x3  }
0x97: {  	_ =	strace s4  }
0x98: {  	_ =	strace $0x8FFFFFFF  }
0x99: {  	s19 =	sld [smem:$0x3FDB];
	_ =	sdelay $0x1  }
0x9a: {  	s5 =	simm.s32 $_scs_section_size  }
0x9b: {  	s6 =	simm.s32 $_size__tile_overlayer_lowered;
	s7 =	simm.s32 $_tile_overlayer_lowered  }
0x9c: {  	s22 =	simm.s32 $0x1BFF;
	s21 =	sshll.u32 s7, $0x1;
	s4 =	sadd.s32 s5, s19  }
0x9d: {  	s8 =	simm.s32 $0x0;
	s20 =	sshll.u32 s6, $0x1;
	s6 =	sadd.s32 s21, s4  }
0x9e: {  	[timem:s8], [sflag:s22] =	dma.local [hbm:s6], s20  }
0x9f: {  	_ =	swait.ge [sflag:s22], s20  }
0xa0: {  	s5 =	ssub.s32 $0x0, s20;
	[sflag:s22] =	ssyncset.done $0x0  }
0xa1: {  	[sflag:s22] =	ssyncadd.s32 s5;
	_ =	sdelay $0x1  }
0xa2: {  	s23 =	simm.s32 $0x1B8B  }
0xa3: {  	_ =	swait.ge [sflag:s23], $0x1  }
0xa4: {  	[sflag:s23] =	ssyncset.done $0x0  }
0xa5: {  	s25 =	simm.s32 $0x1B8E;
	s24 =	sld [smem:$0x3FFE];
	[sflag:s23] =	ssyncadd.s32 $0xFFFFFFFF  }
0xa6: {  	s26 =	simm.s32 $execute0_lowered;
	[smem:$0x3FD2] =	sst s25  }
0xa7: {  	s6 =	sshll.u32 s26, $0x1;
	_ =	strace $0x80000046;
	[dreg:$0x1] =	wrdreg $0xFFFFFFFF  }
0xa8: {  	s28 =	simm.s32 $_size_execute0_lowered;
	s4 =	sadd.s32 s4, s6;
	[dreg:$0x0] =	wrdreg $0x0  }
0xa9: {  	s6 =	sshll.u32 s28, $0x1;
	[dreg:$0x2] =	wrdreg s4  }
0xaa: {  	[dreg:$0x3] =	wrdreg s6  }
0xab: {  	[dreg:$0x4] =	wrdreg $0xC0  }
0xac: {  	_ =	task [dreg:s8], $0x5FFFF  }
0xad: {  	[dreg:$0x1] =	wrdreg $0xFFFFFFFF  }
0xae: {  	[dreg:$0x0] =	wrdreg $0x60  }
0xaf: {  	[dreg:$0x2] =	wrdreg s24  }
0xb0: {  	[dreg:$0x3] =	wrdreg s2  }
0xb1: {  	[dreg:$0x4] =	wrdreg s18  }
0xb2: {  	[dreg:$0x5] =	wrdreg $0x9  }
0xb3: {  	_ =	task.clear_ibuf [dreg:s8], $0x6FFFF;
	_ =	strace $0x90000046  }
0xb4: {  	s29 =	simm.s32 $0x9;
	_ =	strace $0x80000048  }
0xb5: {  	_ =	swait.ge [sflag:s29], $0x1  }
0xb6: {  	[sflag:s29] =	ssyncadd.s32 $0xFFFFFFFF  }
0xb7: {  	_ =	strace $0x90000048  }
0xb8: {  	_ =	sfence  }
0xb9: {  	s30 =	sld [smem:$0x0];
	_ =	sdelay $0x2  }
0xba: {  	s31 =	sshll.u32 s1, $0xD;
	s1 =	sshrl.u32 s1, $0x2  }
0xbb: {  	s3 =	sand.u32 $0x4000, s31;
	s1 =	sadd.s32 s1, s30  }
0xbc: {  	s0 =	sor.u32 s3, s0;
	s1 =	sshll.u32 s1, $0x11  }
0xbd: {  	s0 =	sor.u32 s1, s0  }
0xbe: {  	s0 =	sadd.s32 $0x8F2B, s0  }
0xbf: {  	[sflag:s0] =	ssyncadd.remote.s32 $0x1  }
0xc0: {  	_ =	sfence.sel $0xFFFF  }
0xc1: {  	[dreg:$0x0] =	wrdreg $0xFFFFFFFF;
	(pc) =	sbr.abs _section_cstart, $3  }
0xc2: {  	[dreg:$0x1] =	wrdreg $0xFFFFFFFF  }
0xc3: {  	_ =	task.clear_ibuf [dreg:s8], $0x2FFFF;
	_ =	strace $0x9FFFFFFF  }
0xc4: {  	(tm) =	ssettm $0x7FFFFFFF  }
0xc5: {  	_ =	shalt  }
tec
execute0_lowered:
.L_overlay_start_1:
0x0: {  	(tag) =	ssettag $0x1  }
0x1: {  	s0 =	rddreg [dreg:$0x0]  }
0x2: {  	s1 =	srdreg.scid;
	s2 =	rddreg [dreg:$0x1]  }
0x3: {  	s11 =	stileid.u32;
	s5 =	rddreg [dreg:$0x2];
	s28 =	simm.s32 $0x5  }
0x4: {  	s29 =	simm.s32 $0x2;
	s30 =	simm.s32 $0x6;
	s31 =	simm.s32 $0x3  }
0x5: {  	s1 =	sand.u32 $0x1, s1;
	s3 =	sshll.u32 s11, $0x1;
	s4 =	sadd.s32 $0x400, s0  }
0x6: {  	s21 =	smul.u32 $0xC900, s11;
	s6 =	sor.u32 s1, s3;
	s3 =	simm.s32 $0x0  }
0x7: {  	s14 =	ssub.s32 $0x2, s1;
	s7 =	smul.u32 $0x6480, s6;
	[smem:$0x7FF] =	sst s3  }
0x8: {  	s9 =	sshrl.u32 s14, $0x1;
	s6 =	smul.u32 $0x64800, s6;
	_ =	strace $0x80000047  }
0x9: {  	s0 =	ssub.s32 s14, s9;
	s14 =	smul.u32 $0xC9000, s11;
	s8 =	smax.u32 s7, $0x1000  }
0xa: {  	s10 =	smax.u32 s7, $0xF80;
	s16 =	smax.u32 s7, $0xF00;
	s17 =	smax.u32 s7, $0xE80  }
0xb: {  	s6 =	sadd.s32 s6, s5;
	s7 =	sshrl.u32 s7, $0x3;
	s8 =	sadd.s32 $0xFFFFF000, s8  }
0xc: {  	s15 =	sadd.s32 $0xFFFFF080, s10;
	s18 =	sadd.s32 $0xFFFFF100, s16;
	s19 =	sadd.s32 $0xFFFFF180, s17  }
0xd: {  	s22 =	sadd.s32 $0x62000, s6;
	s7 =	sadd.s32 s4, s7;
	s23 =	sadd.s32 $0x62800, s6  }
0xe: {  	s24 =	sadd.s32 $0x63000, s6;
	s25 =	sadd.s32 $0x63800, s6;
	[dreg:$0x9] =	wrdreg s22  }
0xf: {  	s5 =	sadd.s32 s14, s5;
	s14 =	sadd.s32 $0x64000, s6;
	[dreg:$0xb] =	wrdreg s23  }
0x10: {  	s17 =	simm.s32 $0x80;
	s8 =	sshrl.u32 s8, $0x3;
	[dreg:$0xc] =	wrdreg s24  }
0x11: {  	s9 =	sshrl.u32 s19, $0x3;
	s7 =	sadd.s32 $0xA80, s7;
	[dreg:$0xd] =	wrdreg s25  }
0x12: {  	s19 =	simm.s32 $0x1;
	s22 =	simm.s32 $0x4200;
	s23 =	simm.s32 $0x100  }
0x13: {  	s24 =	simm.s32 $0x8200;
	s8 =	sadd.s32 s4, s8;
	[dreg:$0xa] =	wrdreg s7  }
0x14: {  	s25 =	simm.s32 $0x180;
	s20 =	sadd.s32 s4, s9;
	[dreg:$0x5] =	wrdreg s8  }
0x15: {  	s8 =	sshrl.u32 s15, $0x3;
	[dreg:$0x8] =	wrdreg s20;
	s15 =	smul.u32 $0x6480, s1  }
0x16: {  	s1 =	smul.u32 $0x64800, s1;
	s20 =	simm.s32 $0x9;
	s8 =	sadd.s32 s4, s8  }
0x17: {  	[dreg:$0x6] =	wrdreg s8;
	s8 =	sshrl.u32 s18, $0x3;
	s26 =	sadd.s32 s15, s21  }
0x18: {  	s1 =	sadd.s32 s1, s5;
	s15 =	smax.u32 s0, $0x1;
	s21 =	simm.s32 $0x200  }
0x19: {  	s0 =	simm.s32 $0x4;
	s18 =	simm.s32 $0x8;
	s5 =	simm.s32 $0x0  }
0x1a: {  	s8 =	sadd.s32 s4, s8;
	[dreg:$0x4] =	wrdreg s26;
	s7 =	sadd.s32 $0x1800, s1  }
0x1b: {  	v0 =	vimm.s32 $0x0;
	s26 =	simm.s32 $0xC200;
	s1 =	simm.s32 $0x7;
	[dreg:$0x7] =	wrdreg s8  }
.LBB2_1:
0x1c: {  	[tilespmem:$0x0] =	vst v0  }
0x1d: {  	[tilespmem:$0x10] =	vst v0  }
0x1e: {  	[tilespmem:$0x20] =	vst v0  }
0x1f: {  	[tilespmem:$0x30] =	vst v0  }
0x20: {  	[tilespmem:$0x40] =	vst v0  }
0x21: {  	[tilespmem:$0x50] =	vst v0  }
0x22: {  	[tilespmem:$0x60] =	vst v0  }
0x23: {  	[tilespmem:$0x70] =	vst v0;
	s6 =	simm.s32 $0x10200  }
0x24: {  	[tilespmem:s6], [sflag:$0x1] =	stream.indirect.gather [hbm4b:s2+s17], $0x80, s3, s17, $0xb8;
	[tilespmem:$0x14200] =	vst v63  }
0x25: {  	_ =	swait.ge [sflag:s19], $0x4000  }
0x26: {  	[sflag:s19] =	ssyncset.done $0x0  }
0x27: {  	s12 =	rddreg [dreg:$0x5];
	[sflag:s19] =	ssyncadd.s32 $0xFFFFC000  }
0x28: {  	[tilespmem:s3], [sflag:$0x9] =	stream.linear.gather [hbm4b:s12+s3], $0x80, $0x38;
	[tilespmem:$0x14200] =	vst v63  }
0x29: {  	_ =	swait.ge [sflag:s20], $0x80  }
0x2a: {  	[sflag:s20] =	ssyncset.done $0x0  }
0x2b: {  	[sflag:s20] =	ssyncadd.s32 $0xFFFFFF80  }
0x2c: {  	[tilespmem:s21], [sflag:$0x1] =	stream.indirect.gather [hbm4b:s2+s17], $0x80, s3, s17, $0xb8;
	[tilespmem:$0x14200] =	vst v63  }
0x2d: {  	s13 =	rddreg [dreg:$0x6]  }
0x2e: {  	[tilespmem:s17], [sflag:$0x9] =	stream.linear.gather [hbm4b:s13+s3], $0x80, $0x38;
	[tilespmem:$0x14200] =	vst v63  }
0x2f: {  	_ =	swait.ge [sflag:s20], $0x80  }
0x30: {  	[sflag:s20] =	ssyncset.done $0x0  }
0x31: {  	[sflag:s20] =	ssyncadd.s32 $0xFFFFFF80  }
0x32: {  	[tilespmem:s22], [sflag:$0x2] =	stream.indirect.gather [hbm4b:s2+s17], $0x80, s17, s17, $0xb8;
	[tilespmem:$0x14200] =	vst v63  }
0x33: {  	s16 =	rddreg [dreg:$0x7]  }
0x34: {  	[tilespmem:s23], [sflag:$0x9] =	stream.linear.gather [hbm4b:s16+s3], $0x80, $0x38;
	[tilespmem:$0x14200] =	vst v63  }
0x35: {  	_ =	swait.ge [sflag:s20], $0x80  }
0x36: {  	[sflag:s20] =	ssyncset.done $0x0  }
0x37: {  	[sflag:s20] =	ssyncadd.s32 $0xFFFFFF80  }
0x38: {  	[tilespmem:s24], [sflag:$0x3] =	stream.indirect.gather [hbm4b:s2+s17], $0x80, s23, s17, $0xb8;
	[tilespmem:$0x14200] =	vst v63  }
0x39: {  	s8 =	rddreg [dreg:$0x8]  }
0x3a: {  	[tilespmem:s25], [sflag:$0x9] =	stream.linear.gather [hbm4b:s8+s3], $0x80, $0x38;
	[tilespmem:$0x14200] =	vst v63  }
0x3b: {  	_ =	swait.ge [sflag:s20], $0x80  }
0x3c: {  	[sflag:s20] =	ssyncset.done $0x0  }
0x3d: {  	[sflag:s20] =	ssyncadd.s32 $0xFFFFFF80  }
0x3e: {  	[tilespmem:s26], [sflag:$0x4] =	stream.indirect.gather [hbm4b:s2+s17], $0x80, s25, s17, $0xb8;
	[tilespmem:$0x14200] =	vst v63  }
0x3f: {  	_ =	swait.ge [sflag:s19], $0x4000  }
0x40: {  	s9 =	rddreg [dreg:$0x4]  }
0x41: {  	s6 =	sadd.s32 $0x0, s9  }
0x42: {  	s8 =	simm.s32 $0x10200;
	[sflag:s19] =	ssyncset.done $0x0;
	p0 =	slt.u32 s6, $0x1000  }
0x43: {  	s16 =	sadd.s32 $0xFFFFE800, s7;
	[sflag:s19] =	ssyncadd.s32 $0xFFFFC000;
	s8 =	simm.s32 @!p0 $0x200  }
0x44: {  	[hbm4b:s16+s3] =	stream.linear.scatter [tilespmem:s8], [sflag:$0x5], $0x4000, $0x38;
	[tilespmem:$0x14200] =	vst v63  }
0x45: {  	s8 =	sadd.s32 $0x200, s6  }
0x46: {  	p0 =	sgt.s32 s8, $0x1000  }
0x47: {  	s8 =	simm.s32 @!p0 $0x1000  }
0x48: {  	s8 =	sadd.s32 $0xFFFFF000, s8  }
0x49: {  	s8 =	sshrl.u32 s8, $0x3  }
0x4a: {  	s8 =	sadd.s32 s4, s8  }
0x4b: {  	[tilespmem:s3], [sflag:$0x9] =	stream.linear.gather [hbm4b:s8+s3], $0x80, $0x38;
	[tilespmem:$0x14200] =	vst v63  }
0x4c: {  	_ =	swait.ge [sflag:s20], $0x80  }
0x4d: {  	[sflag:s20] =	ssyncset.done $0x0  }
0x4e: {  	[sflag:s20] =	ssyncadd.s32 $0xFFFFFF80  }
0x4f: {  	_ =	swait.ge [sflag:s28], $0x4000  }
0x50: {  	[sflag:s28] =	ssyncset.done $0x0  }
0x51: {  	[sflag:s28] =	ssyncadd.s32 $0xFFFFC000  }
0x52: {  	[tilespmem:s21], [sflag:$0x1] =	stream.indirect.gather [hbm4b:s2+s17], $0x80, s3, s17, $0xb8;
	[tilespmem:$0x14200] =	vst v63  }
0x53: {  	s10 =	sadd.s32 $0x80, s6;
	_ =	swait.ge [sflag:s29], $0x4000  }
0x54: {  	p0 =	slt.u32 s10, $0x1000;
	s8 =	simm.s32 $0x10200;
	[sflag:s29] =	ssyncset.done $0x0  }
0x55: {  	s11 =	sadd.s32 $0xFFFFF000, s7;
	s8 =	simm.s32 @!p0 $0x4200;
	[sflag:s29] =	ssyncadd.s32 $0xFFFFC000  }
0x56: {  	[hbm4b:s11+s3] =	stream.linear.scatter [tilespmem:s8], [sflag:$0x6], $0x4000, $0x38;
	[tilespmem:$0x14200] =	vst v63  }
0x57: {  	s8 =	sadd.s32 $0x280, s6  }
0x58: {  	p0 =	sgt.s32 s8, $0x1000  }
0x59: {  	s8 =	simm.s32 @!p0 $0x1000  }
0x5a: {  	s8 =	sadd.s32 $0xFFFFF000, s8  }
0x5b: {  	s8 =	sshrl.u32 s8, $0x3  }
0x5c: {  	s8 =	sadd.s32 s4, s8  }
0x5d: {  	[tilespmem:s17], [sflag:$0x9] =	stream.linear.gather [hbm4b:s8+s3], $0x80, $0x38;
	[tilespmem:$0x14200] =	vst v63  }
0x5e: {  	_ =	swait.ge [sflag:s20], $0x80  }
0x5f: {  	[sflag:s20] =	ssyncset.done $0x0  }
0x60: {  	[sflag:s20] =	ssyncadd.s32 $0xFFFFFF80  }
0x61: {  	_ =	swait.ge [sflag:s30], $0x4000  }
0x62: {  	[sflag:s30] =	ssyncset.done $0x0  }
0x63: {  	[sflag:s30] =	ssyncadd.s32 $0xFFFFC000  }
0x64: {  	[tilespmem:s22], [sflag:$0x2] =	stream.indirect.gather [hbm4b:s2+s17], $0x80, s17, s17, $0xb8;
	[tilespmem:$0x14200] =	vst v63  }
0x65: {  	s12 =	sadd.s32 $0x100, s6;
	_ =	swait.ge [sflag:s31], $0x4000  }
0x66: {  	p0 =	slt.u32 s12, $0x1000;
	s8 =	simm.s32 $0x10200;
	[sflag:s31] =	ssyncset.done $0x0  }
0x67: {  	s13 =	sadd.s32 $0xFFFFF800, s7;
	s8 =	simm.s32 @!p0 $0x8200;
	[sflag:s31] =	ssyncadd.s32 $0xFFFFC000  }
0x68: {  	[hbm4b:s13+s3] =	stream.linear.scatter [tilespmem:s8], [sflag:$0x7], $0x4000, $0x38;
	[tilespmem:$0x14200] =	vst v63  }
0x69: {  	s8 =	sadd.s32 $0x300, s6  }
0x6a: {  	p0 =	sgt.s32 s8, $0x1000  }
0x6b: {  	s8 =	simm.s32 @!p0 $0x1000  }
0x6c: {  	s8 =	sadd.s32 $0xFFFFF000, s8  }
0x6d: {  	s8 =	sshrl.u32 s8, $0x3  }
0x6e: {  	s8 =	sadd.s32 s4, s8  }
0x6f: {  	[tilespmem:s23], [sflag:$0x9] =	stream.linear.gather [hbm4b:s8+s3], $0x80, $0x38;
	[tilespmem:$0x14200] =	vst v63  }
0x70: {  	_ =	swait.ge [sflag:s20], $0x80  }
0x71: {  	[sflag:s20] =	ssyncset.done $0x0  }
0x72: {  	[sflag:s20] =	ssyncadd.s32 $0xFFFFFF80  }
0x73: {  	_ =	swait.ge [sflag:s1], $0x4000  }
0x74: {  	s8 =	sadd.s32 $0x380, s6;
	[sflag:s1] =	ssyncset.done $0x0  }
0x75: {  	s6 =	sadd.s32 $0x180, s6;
	p0 =	sgt.s32 s8, $0x1000;
	[sflag:s1] =	ssyncadd.s32 $0xFFFFC000  }
0x76: {  	[tilespmem:s24], [sflag:$0x3] =	stream.indirect.gather [hbm4b:s2+s17], $0x80, s23, s17, $0xb8;
	[tilespmem:$0x14200] =	vst v63  }
0x77: {  	s8 =	simm.s32 @!p0 $0x1000;
	p0 =	slt.u32 s6, $0x1000;
	_ =	swait.ge [sflag:s0], $0x4000  }
0x78: {  	s6 =	simm.s32 $0x10200;
	s8 =	sadd.s32 $0xFFFFF000, s8;
	[sflag:s0] =	ssyncset.done $0x0  }
0x79: {  	s6 =	simm.s32 @!p0 $0xC200;
	s8 =	sshrl.u32 s8, $0x3;
	[sflag:s0] =	ssyncadd.s32 $0xFFFFC000  }
0x7a: {  	[hbm4b:s7+s3] =	stream.linear.scatter [tilespmem:s6], [sflag:$0x8], $0x4000, $0x38;
	[tilespmem:$0x14200] =	vst v63  }
0x7b: {  	s16 =	sadd.s32 s4, s8  }
0x7c: {  	[tilespmem:s25], [sflag:$0x9] =	stream.linear.gather [hbm4b:s16+s3], $0x80, $0x38;
	[tilespmem:$0x14200] =	vst v63  }
0x7d: {  	_ =	swait.ge [sflag:s20], $0x80  }
0x7e: {  	[sflag:s20] =	ssyncset.done $0x0  }
0x7f: {  	[sflag:s20] =	ssyncadd.s32 $0xFFFFFF80  }
0x80: {  	s6 =	simm.s32 $0x200;
	s16 =	smov.u32 s7;
	_ =	swait.ge [sflag:s18], $0x4000  }
.LBB2_2:
0x81: {  	[sflag:s18] =	ssyncset.done $0x0  }
0x82: {  	[sflag:s18] =	ssyncadd.s32 $0xFFFFC000  }
0x83: {  	[tilespmem:s26], [sflag:$0x4] =	stream.indirect.gather [hbm4b:s2+s17], $0x80, s25, s17, $0xb8;
	[tilespmem:$0x14200] =	vst v63  }
0x84: {  	_ =	swait.ge [sflag:s19], $0x4000  }
0x85: {  	s8 =	smov.u32 s6;
	s9 =	rddreg [dreg:$0x4]  }
0x86: {  	s16 =	sadd.s32 $0x2000, s16;
	s8 =	sadd.s32 s8, s9  }
0x87: {  	s11 =	simm.s32 $0x10200;
	p1 =	slt.u32 s8, $0x1000;
	s9 =	sadd.s32 $0x200, s8  }
0x88: {  	[sflag:s19] =	ssyncset.done $0x0;
	s11 =	simm.s32 @!p1 $0x200;
	p1 =	sgt.s32 s9, $0x1000  }
0x89: {  	s13 =	sadd.s32 $0xFFFFE800, s16;
	[sflag:s19] =	ssyncadd.s32 $0xFFFFC000;
	s9 =	simm.s32 @!p1 $0x1000  }
0x8a: {  	[hbm4b:s13+s3] =	stream.linear.scatter [tilespmem:s11], [sflag:$0x5], $0x4000, $0x38;
	[tilespmem:$0x14200] =	vst v63  }
0x8b: {  	s10 =	sadd.s32 $0x280, s8;
	s9 =	sadd.s32 $0xFFFFF000, s9  }
0x8c: {  	s12 =	sadd.s32 $0x80, s8;
	p2 =	sgt.s32 s10, $0x1000;
	s9 =	sshrl.u32 s9, $0x3  }
0x8d: {  	p3 =	slt.u32 s12, $0x1000;
	s12 =	sadd.s32 $0x300, s8;
	s9 =	sadd.s32 s4, s9  }
0x8e: {  	[tilespmem:s3], [sflag:$0x9] =	stream.linear.gather [hbm4b:s9+s3], $0x80, $0x38;
	[tilespmem:$0x14200] =	vst v63  }
0x8f: {  	s10 =	simm.s32 @!p2 $0x1000;
	s11 =	sadd.s32 $0x100, s8;
	_ =	swait.ge [sflag:s20], $0x80  }
0x90: {  	s13 =	sadd.s32 $0x380, s8;
	p1 =	sgt.s32 s12, $0x1000;
	[sflag:s20] =	ssyncset.done $0x0  }
0x91: {  	s10 =	sadd.s32 $0xFFFFF000, s10;
	p2 =	slt.u32 s11, $0x1000;
	[sflag:s20] =	ssyncadd.s32 $0xFFFFFF80  }
0x92: {  	s12 =	simm.s32 @!p1 $0x1000;
	p1 =	sgt.s32 s13, $0x1000;
	_ =	swait.ge [sflag:s28], $0x4000  }
0x93: {  	s10 =	sshrl.u32 s10, $0x3;
	s13 =	simm.s32 @!p1 $0x1000;
	[sflag:s28] =	ssyncset.done $0x0  }
0x94: {  	s11 =	sadd.s32 $0xFFFFF000, s12;
	s12 =	sadd.s32 $0xFFFFF000, s13;
	[sflag:s28] =	ssyncadd.s32 $0xFFFFC000  }
0x95: {  	[tilespmem:s21], [sflag:$0x1] =	stream.indirect.gather [hbm4b:s2+s17], $0x80, s3, s17, $0xb8;
	[tilespmem:$0x14200] =	vst v63  }
0x96: {  	s13 =	sadd.s32 $0x180, s8;
	s9 =	sshrl.u32 s11, $0x3;
	_ =	swait.ge [sflag:s29], $0x4000  }
0x97: {  	p1 =	slt.u32 s13, $0x1000;
	s11 =	simm.s32 $0x10200;
	[sflag:s29] =	ssyncset.done $0x0  }
0x98: {  	s13 =	sadd.s32 $0xFFFFF000, s16;
	s11 =	simm.s32 @!p3 $0x4200;
	[sflag:s29] =	ssyncadd.s32 $0xFFFFC000  }
0x99: {  	[hbm4b:s13+s3] =	stream.linear.scatter [tilespmem:s11], [sflag:$0x6], $0x4000, $0x38;
	[tilespmem:$0x14200] =	vst v63  }
0x9a: {  	s10 =	sadd.s32 s4, s10  }
0x9b: {  	[tilespmem:s17], [sflag:$0x9] =	stream.linear.gather [hbm4b:s10+s3], $0x80, $0x38;
	[tilespmem:$0x14200] =	vst v63  }
0x9c: {  	_ =	swait.ge [sflag:s20], $0x80  }
0x9d: {  	[sflag:s20] =	ssyncset.done $0x0  }
0x9e: {  	[sflag:s20] =	ssyncadd.s32 $0xFFFFFF80  }
0x9f: {  	_ =	swait.ge [sflag:s30], $0x4000  }
0xa0: {  	[sflag:s30] =	ssyncset.done $0x0  }
0xa1: {  	[sflag:s30] =	ssyncadd.s32 $0xFFFFC000  }
0xa2: {  	[tilespmem:s22], [sflag:$0x2] =	stream.indirect.gather [hbm4b:s2+s17], $0x80, s17, s17, $0xb8;
	[tilespmem:$0x14200] =	vst v63  }
0xa3: {  	_ =	swait.ge [sflag:s31], $0x4000  }
0xa4: {  	s10 =	simm.s32 $0x10200;
	[sflag:s31] =	ssyncset.done $0x0  }
0xa5: {  	s13 =	sadd.s32 $0xFFFFF800, s16;
	s10 =	simm.s32 @!p2 $0x8200;
	[sflag:s31] =	ssyncadd.s32 $0xFFFFC000  }
0xa6: {  	[hbm4b:s13+s3] =	stream.linear.scatter [tilespmem:s10], [sflag:$0x7], $0x4000, $0x38;
	[tilespmem:$0x14200] =	vst v63  }
0xa7: {  	s9 =	sadd.s32 s4, s9  }
0xa8: {  	[tilespmem:s23], [sflag:$0x9] =	stream.linear.gather [hbm4b:s9+s3], $0x80, $0x38;
	[tilespmem:$0x14200] =	vst v63  }
0xa9: {  	_ =	swait.ge [sflag:s20], $0x80  }
0xaa: {  	[sflag:s20] =	ssyncset.done $0x0  }
0xab: {  	[sflag:s20] =	ssyncadd.s32 $0xFFFFFF80  }
0xac: {  	_ =	swait.ge [sflag:s1], $0x4000  }
0xad: {  	[sflag:s1] =	ssyncset.done $0x0  }
0xae: {  	[sflag:s1] =	ssyncadd.s32 $0xFFFFC000  }
0xaf: {  	[tilespmem:s24], [sflag:$0x3] =	stream.indirect.gather [hbm4b:s2+s17], $0x80, s23, s17, $0xb8;
	[tilespmem:$0x14200] =	vst v63  }
0xb0: {  	_ =	swait.ge [sflag:s0], $0x4000  }
0xb1: {  	s9 =	simm.s32 $0x10200;
	[sflag:s0] =	ssyncset.done $0x0  }
0xb2: {  	s8 =	sshrl.u32 s12, $0x3;
	s9 =	simm.s32 @!p1 $0xC200;
	[sflag:s0] =	ssyncadd.s32 $0xFFFFC000  }
0xb3: {  	[hbm4b:s16+s3] =	stream.linear.scatter [tilespmem:s9], [sflag:$0x8], $0x4000, $0x38;
	[tilespmem:$0x14200] =	vst v63  }
0xb4: {  	p0 =	sne.s32 s6, $0x6000;
	s8 =	sadd.s32 s4, s8  }
0xb5: {  	[tilespmem:s25], [sflag:$0x9] =	stream.linear.gather [hbm4b:s8+s3], $0x80, $0x38;
	[tilespmem:$0x14200] =	vst v63  }
.Ltmp0:
0xb6: {  	_ = 	snop;
	(pc) =	sbr.rel @p0 .LBB2_2-.Ltmp0, $4  }
0xb7: {  	_ =	swait.ge [sflag:s20], $0x80  }
0xb8: {  	[sflag:s20] =	ssyncset.done $0x0  }
0xb9: {  	[sflag:s20] =	ssyncadd.s32 $0xFFFFFF80  }
0xba: {  	s6 =	sadd.s32 $0x200, s6;
	_ =	swait.ge [sflag:s18], $0x4000  }
0xbb: {  	[sflag:s18] =	ssyncset.done $0x0  }
0xbc: {  	[sflag:s18] =	ssyncadd.s32 $0xFFFFC000  }
0xbd: {  	[tilespmem:s26], [sflag:$0x4] =	stream.indirect.gather [hbm4b:s2+s17], $0x80, s25, s17, $0xb8;
	[tilespmem:$0x14200] =	vst v63  }
0xbe: {  	_ =	swait.ge [sflag:s19], $0x4000  }
0xbf: {  	[sflag:s19] =	ssyncset.done $0x0  }
0xc0: {  	s6 =	rddreg [dreg:$0x9];
	[sflag:s19] =	ssyncadd.s32 $0xFFFFC000  }
0xc1: {  	[hbm4b:s6+s3] =	stream.linear.scatter [tilespmem:s21], [sflag:$0x5], $0x4000, $0x38;
	[tilespmem:$0x14200] =	vst v63  }
0xc2: {  	s11 =	rddreg [dreg:$0xa]  }
0xc3: {  	[tilespmem:s3], [sflag:$0x9] =	stream.linear.gather [hbm4b:s11+s3], $0x80, $0x38;
	[tilespmem:$0x14200] =	vst v63  }
0xc4: {  	_ =	swait.ge [sflag:s20], $0x80  }
0xc5: {  	[sflag:s20] =	ssyncset.done $0x0  }
0xc6: {  	[sflag:s20] =	ssyncadd.s32 $0xFFFFFF80  }
0xc7: {  	_ =	swait.ge [sflag:s28], $0x4000  }
0xc8: {  	[sflag:s28] =	ssyncset.done $0x0  }
0xc9: {  	[sflag:s28] =	ssyncadd.s32 $0xFFFFC000  }
0xca: {  	[tilespmem:s21], [sflag:$0x1] =	stream.indirect.gather [hbm4b:s2+s17], $0x80, s3, s17, $0xb8;
	[tilespmem:$0x14200] =	vst v63  }
0xcb: {  	_ =	swait.ge [sflag:s29], $0x4000  }
0xcc: {  	[sflag:s29] =	ssyncset.done $0x0  }
0xcd: {  	s12 =	rddreg [dreg:$0xb];
	[sflag:s29] =	ssyncadd.s32 $0xFFFFC000  }
0xce: {  	[hbm4b:s12+s3] =	stream.linear.scatter [tilespmem:s22], [sflag:$0x6], $0x4000, $0x38;
	[tilespmem:$0x14200] =	vst v63  }
0xcf: {  	_ =	swait.ge [sflag:s30], $0x4000  }
0xd0: {  	[sflag:s30] =	ssyncset.done $0x0  }
0xd1: {  	[sflag:s30] =	ssyncadd.s32 $0xFFFFC000  }
0xd2: {  	_ =	swait.ge [sflag:s31], $0x4000  }
0xd3: {  	[sflag:s31] =	ssyncset.done $0x0  }
0xd4: {  	s13 =	rddreg [dreg:$0xc];
	[sflag:s31] =	ssyncadd.s32 $0xFFFFC000  }
0xd5: {  	[hbm4b:s13+s3] =	stream.linear.scatter [tilespmem:s24], [sflag:$0x7], $0x4000, $0x38;
	[tilespmem:$0x14200] =	vst v63  }
0xd6: {  	_ =	swait.ge [sflag:s1], $0x4000  }
0xd7: {  	[sflag:s1] =	ssyncset.done $0x0  }
0xd8: {  	[sflag:s1] =	ssyncadd.s32 $0xFFFFC000  }
0xd9: {  	_ =	swait.ge [sflag:s0], $0x4000  }
0xda: {  	[sflag:s0] =	ssyncset.done $0x0  }
0xdb: {  	s16 =	rddreg [dreg:$0xd];
	[sflag:s0] =	ssyncadd.s32 $0xFFFFC000  }
0xdc: {  	[hbm4b:s16+s3] =	stream.linear.scatter [tilespmem:s26], [sflag:$0x8], $0x4000, $0x38;
	[tilespmem:$0x14200] =	vst v63  }
0xdd: {  	_ =	swait.ge [sflag:s18], $0x4000  }
0xde: {  	[sflag:s18] =	ssyncset.done $0x0  }
0xdf: {  	[sflag:s18] =	ssyncadd.s32 $0xFFFFC000  }
0xe0: {  	s5 =	sadd.s32 $0x1, s5;
	_ =	swait.ge [sflag:s19], $0x4000  }
0xe1: {  	p0 =	sne.s32 s5, s15;
	[sflag:s19] =	ssyncset.done $0x0  }
.Ltmp1:
0xe2: {  	[sflag:s19] =	ssyncadd.s32 $0xFFFFC000;
	(pc) =	sbr.rel @p0 .LBB2_1-.Ltmp1, $4  }
0xe3: {  	[hbm4b:s14+s3] =	stream.linear.scatter [tilespmem:s21], [sflag:$0x5], $0x4000, $0x38;
	[tilespmem:$0x14200] =	vst v63  }
0xe4: {  	_ =	swait.ge [sflag:s28], $0x4000  }
0xe5: {  	[sflag:s28] =	ssyncset.done $0x0  }
0xe6: {  	[sflag:s28] =	ssyncadd.s32 $0xFFFFC000  }
0xe7: {  	_ =	sfence.sel $0x180000  }
0xe8: {  	[bflag:$0x0] =	sbarrier.arrive $0xFFFF  }
0xe9: {  	_ =	strace $0x90000047  }
0xea: {  	s0 =	stileid.u32;
	[bflag:$0x2] =	sbarrier.arrive $0xFFFF  }
0xeb: {  	p0 =	sne.s32 s0, $0x0;
	s0 =	rddreg [dreg:$0x3]  }
0xec: {  	s0 =	sadd.s32 @!p0 $0x100000, s0  }
0xed: {  	[sflag:s0] =	ssyncadd.tile.s32 @!p0 $0x1;
	_ =	shalt  }
.Lfunc_end2:
_tile_overlayer_lowered:
.L_overlay_start_2:
0xee: {  	(tag) =	ssettag $0x2  }
0xef: {  	s0 =	rddreg [dreg:$0x0];
	s2 =	stileid.u32  }
0xf0: {  	s1 =	rddreg [dreg:$0x1];
	p0 =	sne.s32 s2, $0x0  }
0xf1: {  	s3 =	rddreg [dreg:$0x2];
	[bflag:$0x3] =	sbarrier.arrive $0xFFFF;
	s2 =	simm.s32 @!p0 $0x1C09  }
0xf2: {  	[timem:s3], [sflag:s2] =	dma.local @!p0 [hbm:s0], s1  }
0xf3: {  	s0 =	simm.s32 @!p0 $0x9  }
0xf4: {  	_ =	swait.ge @!p0 [sflag:s0], s1  }
0xf5: {  	s1 =	ssub.s32 @!p0 $0x0, s1;
	[sflag:s0] =	ssyncset.done @!p0 $0x0  }
0xf6: {  	[sflag:s0] =	ssyncadd.s32 @!p0 s1  }
0xf7: {  	[bflag:$0x3] =	sbarrier.arrive $0xFFFF  }
0xf8: {  	_ =	shalt  }

</sc_bundles>
